<compile_context>
chip_gen: v7x
topology: tpu7x:2x2x1
jax: 0.10.2.dev20260603
libtpu: 0.0.44.dev20260713+nightly
codegen_flags: <defaults>
</compile_context>

<pallas_src>
import functools

import jax
import jax.numpy as jnp
from jax import lax
from jax.experimental import pallas as pl
from jax.experimental.pallas import tpu as pltpu
from jax.experimental.pallas import tpu_sc as plsc

N = 16384
K = 64
V = 1000000
D = 16

NC, NS = 2, 16
NW = NC * NS
CHUNK = 2048
GPC = CHUNK // 128
NEIGH_ITERS = (N * K) // (NW * CHUNK)
NODE_GPC = (N // NW) // 128

def _sc_gather_body(idx_hbm, nodes_hbm, table_hbm, e_out, u_out,
                    idx_v, rows_v, pk_v, sem):
    wid = lax.axis_index("s") * NC + lax.axis_index("c")
    table = table_hbm
    prows_per_chunk = CHUNK * D // 128

    def body(g, carry):
        row0 = wid * (NEIGH_ITERS * GPC) + g * GPC
        pltpu.sync_copy(idx_hbm.at[pl.ds(row0, GPC)], idx_v)
        cps = [
            pltpu.async_copy(
                table.at[idx_v.at[j]],
                rows_v.at[pl.ds(j * 128, 128)], sem)
            for j in range(GPC)
        ]
        for cp in cps:
            cp.wait()

        def repack(pr, c2):
            for c in range(16):
                pk_v[pr, pl.ds(c * D, D)] = rows_v[pr * 16 + c, :]
            return c2

        lax.fori_loop(0, CHUNK // 16, repack, 0)
        pltpu.sync_copy(pk_v,
                        e_out.at[pl.ds(row0 * 8, CHUNK // 16)])
        return carry

    lax.fori_loop(0, NEIGH_ITERS, body, 0)

    nrow0 = wid * NODE_GPC
    pltpu.sync_copy(nodes_hbm.at[pl.ds(nrow0, NODE_GPC)],
                    idx_v.at[pl.ds(0, NODE_GPC)])
    cps = [
        pltpu.async_copy(
            table.at[idx_v.at[j]],
            rows_v.at[pl.ds(j * 128, 128)], sem)
        for j in range(NODE_GPC)
    ]
    for cp in cps:
        cp.wait()
    pltpu.sync_copy(rows_v.at[pl.ds(0, NODE_GPC * 128)],
                    u_out.at[pl.ds(wid * NODE_GPC * 128, NODE_GPC * 128)])


@functools.cache
def _sc_gather():
    mesh = plsc.VectorSubcoreMesh(
        core_axis_name="c", subcore_axis_name="s",
        num_cores=NC, num_subcores=NS)
    return pl.kernel(
        _sc_gather_body,
        out_type=[
            jax.ShapeDtypeStruct((N * K // 16, 256), jnp.float32),
            jax.ShapeDtypeStruct((N, D), jnp.float32),
        ],
        mesh=mesh,
        scratch_types=[
            pltpu.VMEM((GPC, 128), jnp.int32),
            pltpu.VMEM((CHUNK, D), jnp.float32),
            pltpu.VMEM((CHUNK // 16, 256), jnp.float32),
            pltpu.SemaphoreType.DMA,
        ],
        compiler_params=pltpu.CompilerParams(use_tc_tiling_on_sc=False),
    )


TBLK = 32768
PADV = ((V + TBLK - 1) // TBLK) * TBLK


def _repack_body(t_ref, o_ref):
    t = t_ref[...]
    stk = jnp.concatenate(
        [t[:, c * (TBLK // 8):(c + 1) * (TBLK // 8)] for c in range(8)],
        axis=0)
    o_ref[...] = jnp.transpose(stk)


def _repack_table(u2e_t):
    return pl.pallas_call(
        _repack_body,
        grid=(pl.cdiv(V, TBLK),),
        in_specs=[pl.BlockSpec((D, TBLK), lambda i: (0, i))],
        out_specs=pl.BlockSpec((TBLK // 8, 128), lambda i: (i, 0)),
        out_shape=jax.ShapeDtypeStruct((PADV // 8, 128), jnp.float32),
    )(u2e_t)


BN = 128
P = 16
PL = P * D
PROWS = BN * K // P
RPN = K // P
EROWS = BN * K // 8


def _tc_body(e_ref, r_ref, u_ref, bd1_ref, s1_ref, b1_ref, bd2_ref, b2_ref,
             bda1_ref, a1u_ref, ab1_ref, bda2_ref, ab2_ref, a3s_ref, ab3_ref,
             t16_ref, e16_ref, g16_ref, out_ref):
    f32 = jnp.float32
    dot = lambda x, y: jnp.dot(x, y, preferred_element_type=f32)
    e = e_ref[...]
    rt = r_ref[...]
    z = jax.lax.dot_general(rt, s1_ref[...], (((0,), (0,)), ((), ())),
                            preferred_element_type=f32)
    rterm = z.reshape(PROWS, PL)
    x = jnp.maximum(dot(e, bd1_ref[...]) + rterm + b1_ref[...], 0.0)
    o = jnp.maximum(dot(x, bd2_ref[...]) + b2_ref[...], 0.0)

    uc = dot(u_ref[...], a1u_ref[...])
    uct = dot(uc, t16_ref[...])
    ucb = jnp.broadcast_to(uct[:, None, :], (BN, RPN, PL)).reshape(PROWS, PL)
    a = jnp.maximum(dot(o, bda1_ref[...]) + ucb + ab1_ref[...], 0.0)
    a = jnp.maximum(dot(a, bda2_ref[...]) + ab2_ref[...], 0.0)
    s = dot(a, a3s_ref[...]) + ab3_ref[0, 0]

    s3 = s.reshape(BN, RPN, P)
    m = jnp.max(jnp.max(s3, axis=2, keepdims=True), axis=1, keepdims=True)
    p = jnp.exp(s3 - m)
    den = jnp.sum(jnp.sum(p, axis=2, keepdims=True), axis=1)
    wp = dot(p.reshape(PROWS, P), e16_ref[...])
    pr = dot(o * wp, g16_ref[...])
    num = jnp.sum(pr.reshape(BN, RPN, D), axis=1)
    out_ref[...] = num / den


def _tc_call(e_pack, r_pack, urep, bd1, s1, b1t, bd2, b2t, bda1, a1u, ab1t,
             bda2, ab2t, a3s, ab3, t16, e16, g16):
    nblk = N // BN
    full = lambda shape: pl.BlockSpec(shape, lambda i: (0, 0))
    return pl.pallas_call(
        _tc_body,
        grid=(nblk,),
        in_specs=[
            pl.BlockSpec((PROWS, PL), lambda i: (i, 0)),
            pl.BlockSpec((K, BN), lambda i: (0, i)),
            pl.BlockSpec((BN, D), lambda i: (i, 0)),
            full((PL, PL)), full((K, K * D)), full((1, PL)),
            full((PL, PL)), full((1, PL)),
            full((PL, PL)), full((D, D)), full((1, PL)),
            full((PL, PL)), full((1, PL)),
            full((PL, P)), full((1, 1)),
            full((D, PL)), full((P, PL)), full((PL, D)),
        ],
        out_specs=pl.BlockSpec((BN, D), lambda i: (i, 0)),
        out_shape=jax.ShapeDtypeStruct((N, D), jnp.float32),
    )(e_pack, r_pack, urep, bd1, s1, b1t, bd2, b2t, bda1, a1u, ab1t,
      bda2, ab2t, a3s, ab3, t16, e16, g16)


def kernel(nodes, to_neighs, neighs_r, u2e,
           w_r1_w, w_r1_b, w_r2_w, w_r2_b,
           att1_w, att1_b, att2_w, att2_b, att3_w, att3_b):
    def _perm(v):
        t = v & (TBLK - 1)
        return (v - t) | ((t & (TBLK // 8 - 1)) << 3) | (t >> (TBLK.bit_length() - 4))

    idx2d = _perm(to_neighs).reshape(N * K // 128, 128)
    nodes2d = _perm(nodes).reshape(N // 128, 128)
    tbl = _repack_table(u2e.T).reshape(PADV, D)
    e_pack, urep = _sc_gather()(idx2d, nodes2d, tbl)

    r_t = neighs_r.T
    eye = jnp.eye(P, dtype=jnp.float32)
    bd1 = jnp.kron(eye, w_r1_w[:D])
    s1 = jnp.kron(jnp.eye(K, dtype=jnp.float32), w_r1_w[D:D + 1])
    b1t = jnp.tile(w_r1_b, P).reshape(1, PL)
    bd2 = jnp.kron(eye, w_r2_w)
    b2t = jnp.tile(w_r2_b, P).reshape(1, PL)
    bda1 = jnp.kron(eye, att1_w[:D])
    a1u = att1_w[D:]
    ab1t = jnp.tile(att1_b, P).reshape(1, PL)
    bda2 = jnp.kron(eye, att2_w)
    ab2t = jnp.tile(att2_b, P).reshape(1, PL)
    a3s = jnp.kron(eye, att3_w)
    ab3 = att3_b.reshape(1, 1)
    t16 = jnp.tile(jnp.eye(D, dtype=jnp.float32), (1, P))
    e16 = jnp.repeat(eye, D, axis=1)
    g16 = t16.T
    return _tc_call(e_pack, r_t, urep, bd1, s1, b1t, bd2, b2t, bda1, a1u,
                    ab1t, bda2, ab2t, a3s, ab3, t16, e16, g16)

# --- scband reference (transcript-rebuilt; emitter-appended) ---
"""Pipeline reference for scband-social-aggregator-14422500180543 (READ-ONLY COPY).

The authoritative reference and input builder live on the scoring server;
editing this copy changes nothing except your own understanding.
"""

import jax, jax.numpy as jnp
import numpy as np

N = 16384   # batch of target nodes
K = 64      # neighbors per node (uniform ragged->dense padding of to_neighs)
V = 1000000 # num users in u2e table
D = 16      # embed_dim
NUM_UU = 1


def _linear_params(key, fan_in, fan_out):
    kw, kb = jax.random.split(key)
    lim = 1.0 / np.sqrt(fan_in)
    W = jax.random.uniform(kw, (fan_in, fan_out), minval=-lim, maxval=lim, dtype=jnp.float32)
    b = jax.random.uniform(kb, (fan_out,), minval=-lim, maxval=lim, dtype=jnp.float32)
    return W, b


def setup_inputs(seed: int = 0) -> dict:
    key = jax.random.key(seed)
    ks = jax.random.split(key, 10)
    nodes = jax.random.randint(ks[0], (N,), 0, V, dtype=jnp.int32)
    to_neighs = jax.random.randint(ks[1], (N, K), 0, V, dtype=jnp.int32)
    neighs_r = jax.random.uniform(ks[2], (N, K), dtype=jnp.float32)
    u2e = jax.random.normal(ks[3], (V, D), dtype=jnp.float32) * 0.05
    w_r1_w, w_r1_b = _linear_params(ks[4], D + NUM_UU, D)
    w_r2_w, w_r2_b = _linear_params(ks[5], D, D)
    att1_w, att1_b = _linear_params(ks[6], 2 * D, D)
    att2_w, att2_b = _linear_params(ks[7], D, D)
    att3_w, att3_b = _linear_params(ks[8], D, 1)
    return {
        'nodes': nodes, 'to_neighs': to_neighs, 'neighs_r': neighs_r, 'u2e': u2e,
        'w_r1_w': w_r1_w, 'w_r1_b': w_r1_b, 'w_r2_w': w_r2_w, 'w_r2_b': w_r2_b,
        'att1_w': att1_w, 'att1_b': att1_b, 'att2_w': att2_w, 'att2_b': att2_b,
        'att3_w': att3_w, 'att3_b': att3_b,
    }


def reference(nodes, to_neighs, neighs_r, u2e,
              w_r1_w, w_r1_b, w_r2_w, w_r2_b,
              att1_w, att1_b, att2_w, att2_b, att3_w, att3_b):
    # u_rep = self.u2e(nodes[i])  (vectorized over the batch of nodes)
    u_rep = jnp.take(u2e, nodes, axis=0)                 # [N, D]
    # e_u = self.u2e(tmp_adj)  (gather neighbor embeddings)
    e_u = jnp.take(u2e, to_neighs, axis=0)               # [N, K, D]
    # num_uu == 1 -> e_r = labels.view(-1, 1)
    e_r = neighs_r[..., None]                            # [N, K, 1]
    x = jnp.concatenate([e_u, e_r], axis=-1)             # [N, K, D+1]
    x = jax.nn.relu(x @ w_r1_w + w_r1_b)                 # w_r1
    o_history = jax.nn.relu(x @ w_r2_w + w_r2_b)         # w_r2  [N, K, D]
    # Attention(node1=o_history, u_rep, num_neighs): eval mode -> dropout is identity
    u_b = jnp.broadcast_to(u_rep[:, None, :], o_history.shape)
    a = jnp.concatenate([o_history, u_b], axis=-1)       # [N, K, 2D]
    a = jax.nn.relu(a @ att1_w + att1_b)
    a = jax.nn.relu(a @ att2_w + att2_b)
    a = a @ att3_w + att3_b                              # [N, K, 1]
    att_w = jax.nn.softmax(a, axis=1)                    # softmax over neighbors (dim=0 per node)
    # att_history = mm(o_history.t(), att_w).t()
    to_feats = jnp.sum(o_history * att_w, axis=1)        # [N, D]
    return to_feats

if __name__ == "__main__":
    import jax
    _d = setup_inputs()
    print(jax.jit(kernel)(*tuple(_d.values())))

</pallas_src>

<mosaic_0001>
#map = affine_map<(d0, d1) -> (0, 0)>
module attributes {stable_mosaic.version = 14 : i64} {
  func.func @_sc_gather_body(%arg0: i32, %arg1: i32, %arg2: memref<8192x128xi32, #tpu.memory_space<hbm>>, %arg3: memref<128x128xi32, #tpu.memory_space<hbm>>, %arg4: memref<1015808x16xf32, #tpu.memory_space<hbm>>, %arg5: memref<65536x256xf32, #tpu.memory_space<hbm>>, %arg6: memref<16384x16xf32, #tpu.memory_space<hbm>>, %arg7: memref<16x128xi32, #tpu.memory_space<vmem>>, %arg8: memref<2048x16xf32, #tpu.memory_space<vmem>>, %arg9: memref<128x256xf32, #tpu.memory_space<vmem>>, %arg10: memref<!tpu.dma_semaphore, #tpu.memory_space<semaphore_mem>>) attributes {dimension_semantics = [#tpu.dimension_semantics<core_parallel>, #tpu.dimension_semantics<subcore_parallel>], iteration_bounds = array<i64: 2, 16>, scalar_prefetch = 0 : i64, scratch_operands = 4 : i64, tpu.core_type = #tpu.core_type<sc_vector_subcore>, window_params = [{transform_indices = #map}, {transform_indices = #map}, {transform_indices = #map}, {transform_indices = #map}, {transform_indices = #map}]} {
    %mul3A = arith.constant 2 : i32
    %mul3A_0 = arith.muli %arg1, %mul3A : i32
    %add3A = arith.addi %mul3A_0, %arg0 : i32
    %scan3A = arith.constant 0 : i32
    %scan3A_1 = arith.constant 0 : i32
    %scan3A_2 = arith.constant 16 : i32
    %scan3A_3 = arith.addi %scan3A_1, %scan3A_2 : i32
    %scan3A_4 = arith.constant 1 : i32
    scf.for %scan3A_90 = %scan3A_1 to %scan3A_3 step %scan3A_4  : i32 {
      %mul3A_91 = arith.constant 256 : i32
      %mul3A_92 = arith.muli %add3A, %mul3A_91 : i32
      %mul3A_93 = arith.constant 16 : i32
      %mul3A_94 = arith.muli %scan3A_90, %mul3A_93 : i32
      %add3A_95 = arith.addi %mul3A_92, %mul3A_94 : i32
      "tpu.region"() ({
        %run_scoped3A = tpu.sem_alloc : memref<!tpu.dma_semaphore, #tpu.memory_space<semaphore_mem>>
        %dma_start3A_424 = arith.constant 0 : i32
        %dma_start3A_425 = tpu.memref_slice %arg2[%add3A_95, %dma_start3A_424] : memref<8192x128xi32, #tpu.memory_space<hbm>> -> memref<16x128xi32, #tpu.memory_space<hbm>>
        %dma_start3A_426 = arith.constant 0 : i32
        %dma_start3A_427 = tpu.memref_slice %arg2[%add3A_95, %dma_start3A_426] : memref<8192x128xi32, #tpu.memory_space<hbm>> -> memref<16x128xi32, #tpu.memory_space<hbm>>
        tpu.enqueue_dma source(%dma_start3A_427 : memref<16x128xi32, #tpu.memory_space<hbm>>) target(%arg7 : memref<16x128xi32, #tpu.memory_space<vmem>>) target_semaphore(%run_scoped3A : memref<!tpu.dma_semaphore, #tpu.memory_space<semaphore_mem>>)
        %dma_wait3A_428 = arith.constant 0 : i32
        %dma_wait3A_429 = tpu.memref_slice %arg2[%add3A_95, %dma_wait3A_428] : memref<8192x128xi32, #tpu.memory_space<hbm>> -> memref<16x128xi32, #tpu.memory_space<hbm>>
        %dma_wait3A_430 = arith.constant 0 : i32
        %dma_wait3A_431 = tpu.memref_slice %arg2[%add3A_95, %dma_wait3A_430] : memref<8192x128xi32, #tpu.memory_space<hbm>> -> memref<16x128xi32, #tpu.memory_space<hbm>>
        tpu.wait_dma2 semaphore(%run_scoped3A : memref<!tpu.dma_semaphore, #tpu.memory_space<semaphore_mem>>) src(%dma_wait3A_431 : memref<16x128xi32, #tpu.memory_space<hbm>>) dst(%arg7 : memref<16x128xi32, #tpu.memory_space<vmem>>)
        tpu.yield
      }) : () -> ()
      %dma_start3A_96 = arith.constant 0 : i32
      %dma_start3A_97 = arith.constant 0 : i32
      %dma_start3A_98 = arith.constant 0 : i32
      %dma_start3A_99 = tpu.memref_slice %arg8[%dma_start3A_97, %dma_start3A_98] : memref<2048x16xf32, #tpu.memory_space<vmem>> -> memref<128x16xf32, #tpu.memory_space<vmem>>
      %dma_start3A_100 = arith.constant 0 : i32
      %dma_start3A_101 = tpu.memref_slice %arg7[%dma_start3A_96, %dma_start3A_100] : memref<16x128xi32, #tpu.memory_space<vmem>> -> memref<1x128xi32, #tpu.memory_space<vmem>>
      %dma_start3A_102 = tpu.memref_squeeze %dma_start3A_101 : memref<1x128xi32, #tpu.memory_space<vmem>> -> memref<128xi32, #tpu.memory_space<vmem>>
      %dma_start3A_103 = arith.constant 0 : i32
      %dma_start3A_104 = arith.constant 0 : i32
      %dma_start3A_105 = tpu.memref_slice %arg4[%dma_start3A_103, %dma_start3A_104] : memref<1015808x16xf32, #tpu.memory_space<hbm>> -> memref<1015808x16xf32, #tpu.memory_space<hbm>>
      tpu.enqueue_indirect_dma source(%dma_start3A_105 : memref<1015808x16xf32, #tpu.memory_space<hbm>>) target(%dma_start3A_99 : memref<128x16xf32, #tpu.memory_space<vmem>>) offsets(%dma_start3A_102 : memref<128xi32, #tpu.memory_space<vmem>>) semaphore(%arg10 : memref<!tpu.dma_semaphore, #tpu.memory_space<semaphore_mem>>)
      %dma_start3A_106 = arith.constant 1 : i32
      %dma_start3A_107 = arith.constant 128 : i32
      %dma_start3A_108 = arith.constant 0 : i32
      %dma_start3A_109 = tpu.memref_slice %arg8[%dma_start3A_107, %dma_start3A_108] : memref<2048x16xf32, #tpu.memory_space<vmem>> -> memref<128x16xf32, #tpu.memory_space<vmem>>
      %dma_start3A_110 = arith.constant 0 : i32
      %dma_start3A_111 = tpu.memref_slice %arg7[%dma_start3A_106, %dma_start3A_110] : memref<16x128xi32, #tpu.memory_space<vmem>> -> memref<1x128xi32, #tpu.memory_space<vmem>>
      %dma_start3A_112 = tpu.memref_squeeze %dma_start3A_111 : memref<1x128xi32, #tpu.memory_space<vmem>> -> memref<128xi32, #tpu.memory_space<vmem>>
      %dma_start3A_113 = arith.constant 0 : i32
      %dma_start3A_114 = arith.constant 0 : i32
      %dma_start3A_115 = tpu.memref_slice %arg4[%dma_start3A_113, %dma_start3A_114] : memref<1015808x16xf32, #tpu.memory_space<hbm>> -> memref<1015808x16xf32, #tpu.memory_space<hbm>>
      tpu.enqueue_indirect_dma source(%dma_start3A_115 : memref<1015808x16xf32, #tpu.memory_space<hbm>>) target(%dma_start3A_109 : memref<128x16xf32, #tpu.memory_space<vmem>>) offsets(%dma_start3A_112 : memref<128xi32, #tpu.memory_space<vmem>>) semaphore(%arg10 : memref<!tpu.dma_semaphore, #tpu.memory_space<semaphore_mem>>)
      %dma_start3A_116 = arith.constant 2 : i32
      %dma_start3A_117 = arith.constant 256 : i32
      %dma_start3A_118 = arith.constant 0 : i32
      %dma_start3A_119 = tpu.memref_slice %arg8[%dma_start3A_117, %dma_start3A_118] : memref<2048x16xf32, #tpu.memory_space<vmem>> -> memref<128x16xf32, #tpu.memory_space<vmem>>
      %dma_start3A_120 = arith.constant 0 : i32
      %dma_start3A_121 = tpu.memref_slice %arg7[%dma_start3A_116, %dma_start3A_120] : memref<16x128xi32, #tpu.memory_space<vmem>> -> memref<1x128xi32, #tpu.memory_space<vmem>>
      %dma_start3A_122 = tpu.memref_squeeze %dma_start3A_121 : memref<1x128xi32, #tpu.memory_space<vmem>> -> memref<128xi32, #tpu.memory_space<vmem>>
      %dma_start3A_123 = arith.constant 0 : i32
      %dma_start3A_124 = arith.constant 0 : i32
      %dma_start3A_125 = tpu.memref_slice %arg4[%dma_start3A_123, %dma_start3A_124] : memref<1015808x16xf32, #tpu.memory_space<hbm>> -> memref<1015808x16xf32, #tpu.memory_space<hbm>>
      tpu.enqueue_indirect_dma source(%dma_start3A_125 : memref<1015808x16xf32, #tpu.memory_space<hbm>>) target(%dma_start3A_119 : memref<128x16xf32, #tpu.memory_space<vmem>>) offsets(%dma_start3A_122 : memref<128xi32, #tpu.memory_space<vmem>>) semaphore(%arg10 : memref<!tpu.dma_semaphore, #tpu.memory_space<semaphore_mem>>)
      %dma_start3A_126 = arith.constant 3 : i32
      %dma_start3A_127 = arith.constant 384 : i32
      %dma_start3A_128 = arith.constant 0 : i32
      %dma_start3A_129 = tpu.memref_slice %arg8[%dma_start3A_127, %dma_start3A_128] : memref<2048x16xf32, #tpu.memory_space<vmem>> -> memref<128x16xf32, #tpu.memory_space<vmem>>
      %dma_start3A_130 = arith.constant 0 : i32
      %dma_start3A_131 = tpu.memref_slice %arg7[%dma_start3A_126, %dma_start3A_130] : memref<16x128xi32, #tpu.memory_space<vmem>> -> memref<1x128xi32, #tpu.memory_space<vmem>>
      %dma_start3A_132 = tpu.memref_squeeze %dma_start3A_131 : memref<1x128xi32, #tpu.memory_space<vmem>> -> memref<128xi32, #tpu.memory_space<vmem>>
      %dma_start3A_133 = arith.constant 0 : i32
      %dma_start3A_134 = arith.constant 0 : i32
      %dma_start3A_135 = tpu.memref_slice %arg4[%dma_start3A_133, %dma_start3A_134] : memref<1015808x16xf32, #tpu.memory_space<hbm>> -> memref<1015808x16xf32, #tpu.memory_space<hbm>>
      tpu.enqueue_indirect_dma source(%dma_start3A_135 : memref<1015808x16xf32, #tpu.memory_space<hbm>>) target(%dma_start3A_129 : memref<128x16xf32, #tpu.memory_space<vmem>>) offsets(%dma_start3A_132 : memref<128xi32, #tpu.memory_space<vmem>>) semaphore(%arg10 : memref<!tpu.dma_semaphore, #tpu.memory_space<semaphore_mem>>)
      %dma_start3A_136 = arith.constant 4 : i32
      %dma_start3A_137 = arith.constant 512 : i32
      %dma_start3A_138 = arith.constant 0 : i32
      %dma_start3A_139 = tpu.memref_slice %arg8[%dma_start3A_137, %dma_start3A_138] : memref<2048x16xf32, #tpu.memory_space<vmem>> -> memref<128x16xf32, #tpu.memory_space<vmem>>
      %dma_start3A_140 = arith.constant 0 : i32
      %dma_start3A_141 = tpu.memref_slice %arg7[%dma_start3A_136, %dma_start3A_140] : memref<16x128xi32, #tpu.memory_space<vmem>> -> memref<1x128xi32, #tpu.memory_space<vmem>>
      %dma_start3A_142 = tpu.memref_squeeze %dma_start3A_141 : memref<1x128xi32, #tpu.memory_space<vmem>> -> memref<128xi32, #tpu.memory_space<vmem>>
      %dma_start3A_143 = arith.constant 0 : i32
      %dma_start3A_144 = arith.constant 0 : i32
      %dma_start3A_145 = tpu.memref_slice %arg4[%dma_start3A_143, %dma_start3A_144] : memref<1015808x16xf32, #tpu.memory_space<hbm>> -> memref<1015808x16xf32, #tpu.memory_space<hbm>>
      tpu.enqueue_indirect_dma source(%dma_start3A_145 : memref<1015808x16xf32, #tpu.memory_space<hbm>>) target(%dma_start3A_139 : memref<128x16xf32, #tpu.memory_space<vmem>>) offsets(%dma_start3A_142 : memref<128xi32, #tpu.memory_space<vmem>>) semaphore(%arg10 : memref<!tpu.dma_semaphore, #tpu.memory_space<semaphore_mem>>)
      %dma_start3A_146 = arith.constant 5 : i32
      %dma_start3A_147 = arith.constant 640 : i32
      %dma_start3A_148 = arith.constant 0 : i32
      %dma_start3A_149 = tpu.memref_slice %arg8[%dma_start3A_147, %dma_start3A_148] : memref<2048x16xf32, #tpu.memory_space<vmem>> -> memref<128x16xf32, #tpu.memory_space<vmem>>
      %dma_start3A_150 = arith.constant 0 : i32
      %dma_start3A_151 = tpu.memref_slice %arg7[%dma_start3A_146, %dma_start3A_150] : memref<16x128xi32, #tpu.memory_space<vmem>> -> memref<1x128xi32, #tpu.memory_space<vmem>>
      %dma_start3A_152 = tpu.memref_squeeze %dma_start3A_151 : memref<1x128xi32, #tpu.memory_space<vmem>> -> memref<128xi32, #tpu.memory_space<vmem>>
      %dma_start3A_153 = arith.constant 0 : i32
      %dma_start3A_154 = arith.constant 0 : i32
      %dma_start3A_155 = tpu.memref_slice %arg4[%dma_start3A_153, %dma_start3A_154] : memref<1015808x16xf32, #tpu.memory_space<hbm>> -> memref<1015808x16xf32, #tpu.memory_space<hbm>>
      tpu.enqueue_indirect_dma source(%dma_start3A_155 : memref<1015808x16xf32, #tpu.memory_space<hbm>>) target(%dma_start3A_149 : memref<128x16xf32, #tpu.memory_space<vmem>>) offsets(%dma_start3A_152 : memref<128xi32, #tpu.memory_space<vmem>>) semaphore(%arg10 : memref<!tpu.dma_semaphore, #tpu.memory_space<semaphore_mem>>)
      %dma_start3A_156 = arith.constant 6 : i32
      %dma_start3A_157 = arith.constant 768 : i32
      %dma_start3A_158 = arith.constant 0 : i32
      %dma_start3A_159 = tpu.memref_slice %arg8[%dma_start3A_157, %dma_start3A_158] : memref<2048x16xf32, #tpu.memory_space<vmem>> -> memref<128x16xf32, #tpu.memory_space<vmem>>
      %dma_start3A_160 = arith.constant 0 : i32
      %dma_start3A_161 = tpu.memref_slice %arg7[%dma_start3A_156, %dma_start3A_160] : memref<16x128xi32, #tpu.memory_space<vmem>> -> memref<1x128xi32, #tpu.memory_space<vmem>>
      %dma_start3A_162 = tpu.memref_squeeze %dma_start3A_161 : memref<1x128xi32, #tpu.memory_space<vmem>> -> memref<128xi32, #tpu.memory_space<vmem>>
      %dma_start3A_163 = arith.constant 0 : i32
      %dma_start3A_164 = arith.constant 0 : i32
      %dma_start3A_165 = tpu.memref_slice %arg4[%dma_start3A_163, %dma_start3A_164] : memref<1015808x16xf32, #tpu.memory_space<hbm>> -> memref<1015808x16xf32, #tpu.memory_space<hbm>>
      tpu.enqueue_indirect_dma source(%dma_start3A_165 : memref<1015808x16xf32, #tpu.memory_space<hbm>>) target(%dma_start3A_159 : memref<128x16xf32, #tpu.memory_space<vmem>>) offsets(%dma_start3A_162 : memref<128xi32, #tpu.memory_space<vmem>>) semaphore(%arg10 : memref<!tpu.dma_semaphore, #tpu.memory_space<semaphore_mem>>)
      %dma_start3A_166 = arith.constant 7 : i32
      %dma_start3A_167 = arith.constant 896 : i32
      %dma_start3A_168 = arith.constant 0 : i32
      %dma_start3A_169 = tpu.memref_slice %arg8[%dma_start3A_167, %dma_start3A_168] : memref<2048x16xf32, #tpu.memory_space<vmem>> -> memref<128x16xf32, #tpu.memory_space<vmem>>
      %dma_start3A_170 = arith.constant 0 : i32
      %dma_start3A_171 = tpu.memref_slice %arg7[%dma_start3A_166, %dma_start3A_170] : memref<16x128xi32, #tpu.memory_space<vmem>> -> memref<1x128xi32, #tpu.memory_space<vmem>>
      %dma_start3A_172 = tpu.memref_squeeze %dma_start3A_171 : memref<1x128xi32, #tpu.memory_space<vmem>> -> memref<128xi32, #tpu.memory_space<vmem>>
      %dma_start3A_173 = arith.constant 0 : i32
      %dma_start3A_174 = arith.constant 0 : i32
      %dma_start3A_175 = tpu.memref_slice %arg4[%dma_start3A_173, %dma_start3A_174] : memref<1015808x16xf32, #tpu.memory_space<hbm>> -> memref<1015808x16xf32, #tpu.memory_space<hbm>>
      tpu.enqueue_indirect_dma source(%dma_start3A_175 : memref<1015808x16xf32, #tpu.memory_space<hbm>>) target(%dma_start3A_169 : memref<128x16xf32, #tpu.memory_space<vmem>>) offsets(%dma_start3A_172 : memref<128xi32, #tpu.memory_space<vmem>>) semaphore(%arg10 : memref<!tpu.dma_semaphore, #tpu.memory_space<semaphore_mem>>)
      %dma_start3A_176 = arith.constant 8 : i32
      %dma_start3A_177 = arith.constant 1024 : i32
      %dma_start3A_178 = arith.constant 0 : i32
      %dma_start3A_179 = tpu.memref_slice %arg8[%dma_start3A_177, %dma_start3A_178] : memref<2048x16xf32, #tpu.memory_space<vmem>> -> memref<128x16xf32, #tpu.memory_space<vmem>>
      %dma_start3A_180 = arith.constant 0 : i32
      %dma_start3A_181 = tpu.memref_slice %arg7[%dma_start3A_176, %dma_start3A_180] : memref<16x128xi32, #tpu.memory_space<vmem>> -> memref<1x128xi32, #tpu.memory_space<vmem>>
      %dma_start3A_182 = tpu.memref_squeeze %dma_start3A_181 : memref<1x128xi32, #tpu.memory_space<vmem>> -> memref<128xi32, #tpu.memory_space<vmem>>
      %dma_start3A_183 = arith.constant 0 : i32
      %dma_start3A_184 = arith.constant 0 : i32
      %dma_start3A_185 = tpu.memref_slice %arg4[%dma_start3A_183, %dma_start3A_184] : memref<1015808x16xf32, #tpu.memory_space<hbm>> -> memref<1015808x16xf32, #tpu.memory_space<hbm>>
      tpu.enqueue_indirect_dma source(%dma_start3A_185 : memref<1015808x16xf32, #tpu.memory_space<hbm>>) target(%dma_start3A_179 : memref<128x16xf32, #tpu.memory_space<vmem>>) offsets(%dma_start3A_182 : memref<128xi32, #tpu.memory_space<vmem>>) semaphore(%arg10 : memref<!tpu.dma_semaphore, #tpu.memory_space<semaphore_mem>>)
      %dma_start3A_186 = arith.constant 9 : i32
      %dma_start3A_187 = arith.constant 1152 : i32
      %dma_start3A_188 = arith.constant 0 : i32
      %dma_start3A_189 = tpu.memref_slice %arg8[%dma_start3A_187, %dma_start3A_188] : memref<2048x16xf32, #tpu.memory_space<vmem>> -> memref<128x16xf32, #tpu.memory_space<vmem>>
      %dma_start3A_190 = arith.constant 0 : i32
      %dma_start3A_191 = tpu.memref_slice %arg7[%dma_start3A_186, %dma_start3A_190] : memref<16x128xi32, #tpu.memory_space<vmem>> -> memref<1x128xi32, #tpu.memory_space<vmem>>
      %dma_start3A_192 = tpu.memref_squeeze %dma_start3A_191 : memref<1x128xi32, #tpu.memory_space<vmem>> -> memref<128xi32, #tpu.memory_space<vmem>>
      %dma_start3A_193 = arith.constant 0 : i32
      %dma_start3A_194 = arith.constant 0 : i32
      %dma_start3A_195 = tpu.memref_slice %arg4[%dma_start3A_193, %dma_start3A_194] : memref<1015808x16xf32, #tpu.memory_space<hbm>> -> memref<1015808x16xf32, #tpu.memory_space<hbm>>
      tpu.enqueue_indirect_dma source(%dma_start3A_195 : memref<1015808x16xf32, #tpu.memory_space<hbm>>) target(%dma_start3A_189 : memref<128x16xf32, #tpu.memory_space<vmem>>) offsets(%dma_start3A_192 : memref<128xi32, #tpu.memory_space<vmem>>) semaphore(%arg10 : memref<!tpu.dma_semaphore, #tpu.memory_space<semaphore_mem>>)
      %dma_start3A_196 = arith.constant 10 : i32
      %dma_start3A_197 = arith.constant 1280 : i32
      %dma_start3A_198 = arith.constant 0 : i32
      %dma_start3A_199 = tpu.memref_slice %arg8[%dma_start3A_197, %dma_start3A_198] : memref<2048x16xf32, #tpu.memory_space<vmem>> -> memref<128x16xf32, #tpu.memory_space<vmem>>
      %dma_start3A_200 = arith.constant 0 : i32
      %dma_start3A_201 = tpu.memref_slice %arg7[%dma_start3A_196, %dma_start3A_200] : memref<16x128xi32, #tpu.memory_space<vmem>> -> memref<1x128xi32, #tpu.memory_space<vmem>>
      %dma_start3A_202 = tpu.memref_squeeze %dma_start3A_201 : memref<1x128xi32, #tpu.memory_space<vmem>> -> memref<128xi32, #tpu.memory_space<vmem>>
      %dma_start3A_203 = arith.constant 0 : i32
      %dma_start3A_204 = arith.constant 0 : i32
      %dma_start3A_205 = tpu.memref_slice %arg4[%dma_start3A_203, %dma_start3A_204] : memref<1015808x16xf32, #tpu.memory_space<hbm>> -> memref<1015808x16xf32, #tpu.memory_space<hbm>>
      tpu.enqueue_indirect_dma source(%dma_start3A_205 : memref<1015808x16xf32, #tpu.memory_space<hbm>>) target(%dma_start3A_199 : memref<128x16xf32, #tpu.memory_space<vmem>>) offsets(%dma_start3A_202 : memref<128xi32, #tpu.memory_space<vmem>>) semaphore(%arg10 : memref<!tpu.dma_semaphore, #tpu.memory_space<semaphore_mem>>)
      %dma_start3A_206 = arith.constant 11 : i32
      %dma_start3A_207 = arith.constant 1408 : i32
      %dma_start3A_208 = arith.constant 0 : i32
      %dma_start3A_209 = tpu.memref_slice %arg8[%dma_start3A_207, %dma_start3A_208] : memref<2048x16xf32, #tpu.memory_space<vmem>> -> memref<128x16xf32, #tpu.memory_space<vmem>>
      %dma_start3A_210 = arith.constant 0 : i32
      %dma_start3A_211 = tpu.memref_slice %arg7[%dma_start3A_206, %dma_start3A_210] : memref<16x128xi32, #tpu.memory_space<vmem>> -> memref<1x128xi32, #tpu.memory_space<vmem>>
      %dma_start3A_212 = tpu.memref_squeeze %dma_start3A_211 : memref<1x128xi32, #tpu.memory_space<vmem>> -> memref<128xi32, #tpu.memory_space<vmem>>
      %dma_start3A_213 = arith.constant 0 : i32
      %dma_start3A_214 = arith.constant 0 : i32
      %dma_start3A_215 = tpu.memref_slice %arg4[%dma_start3A_213, %dma_start3A_214] : memref<1015808x16xf32, #tpu.memory_space<hbm>> -> memref<1015808x16xf32, #tpu.memory_space<hbm>>
      tpu.enqueue_indirect_dma source(%dma_start3A_215 : memref<1015808x16xf32, #tpu.memory_space<hbm>>) target(%dma_start3A_209 : memref<128x16xf32, #tpu.memory_space<vmem>>) offsets(%dma_start3A_212 : memref<128xi32, #tpu.memory_space<vmem>>) semaphore(%arg10 : memref<!tpu.dma_semaphore, #tpu.memory_space<semaphore_mem>>)
      %dma_start3A_216 = arith.constant 12 : i32
      %dma_start3A_217 = arith.constant 1536 : i32
      %dma_start3A_218 = arith.constant 0 : i32
      %dma_start3A_219 = tpu.memref_slice %arg8[%dma_start3A_217, %dma_start3A_218] : memref<2048x16xf32, #tpu.memory_space<vmem>> -> memref<128x16xf32, #tpu.memory_space<vmem>>
      %dma_start3A_220 = arith.constant 0 : i32
      %dma_start3A_221 = tpu.memref_slice %arg7[%dma_start3A_216, %dma_start3A_220] : memref<16x128xi32, #tpu.memory_space<vmem>> -> memref<1x128xi32, #tpu.memory_space<vmem>>
      %dma_start3A_222 = tpu.memref_squeeze %dma_start3A_221 : memref<1x128xi32, #tpu.memory_space<vmem>> -> memref<128xi32, #tpu.memory_space<vmem>>
      %dma_start3A_223 = arith.constant 0 : i32
      %dma_start3A_224 = arith.constant 0 : i32
      %dma_start3A_225 = tpu.memref_slice %arg4[%dma_start3A_223, %dma_start3A_224] : memref<1015808x16xf32, #tpu.memory_space<hbm>> -> memref<1015808x16xf32, #tpu.memory_space<hbm>>
      tpu.enqueue_indirect_dma source(%dma_start3A_225 : memref<1015808x16xf32, #tpu.memory_space<hbm>>) target(%dma_start3A_219 : memref<128x16xf32, #tpu.memory_space<vmem>>) offsets(%dma_start3A_222 : memref<128xi32, #tpu.memory_space<vmem>>) semaphore(%arg10 : memref<!tpu.dma_semaphore, #tpu.memory_space<semaphore_mem>>)
      %dma_start3A_226 = arith.constant 13 : i32
      %dma_start3A_227 = arith.constant 1664 : i32
      %dma_start3A_228 = arith.constant 0 : i32
      %dma_start3A_229 = tpu.memref_slice %arg8[%dma_start3A_227, %dma_start3A_228] : memref<2048x16xf32, #tpu.memory_space<vmem>> -> memref<128x16xf32, #tpu.memory_space<vmem>>
      %dma_start3A_230 = arith.constant 0 : i32
      %dma_start3A_231 = tpu.memref_slice %arg7[%dma_start3A_226, %dma_start3A_230] : memref<16x128xi32, #tpu.memory_space<vmem>> -> memref<1x128xi32, #tpu.memory_space<vmem>>
      %dma_start3A_232 = tpu.memref_squeeze %dma_start3A_231 : memref<1x128xi32, #tpu.memory_space<vmem>> -> memref<128xi32, #tpu.memory_space<vmem>>
      %dma_start3A_233 = arith.constant 0 : i32
      %dma_start3A_234 = arith.constant 0 : i32
      %dma_start3A_235 = tpu.memref_slice %arg4[%dma_start3A_233, %dma_start3A_234] : memref<1015808x16xf32, #tpu.memory_space<hbm>> -> memref<1015808x16xf32, #tpu.memory_space<hbm>>
      tpu.enqueue_indirect_dma source(%dma_start3A_235 : memref<1015808x16xf32, #tpu.memory_space<hbm>>) target(%dma_start3A_229 : memref<128x16xf32, #tpu.memory_space<vmem>>) offsets(%dma_start3A_232 : memref<128xi32, #tpu.memory_space<vmem>>) semaphore(%arg10 : memref<!tpu.dma_semaphore, #tpu.memory_space<semaphore_mem>>)
      %dma_start3A_236 = arith.constant 14 : i32
      %dma_start3A_237 = arith.constant 1792 : i32
      %dma_start3A_238 = arith.constant 0 : i32
      %dma_start3A_239 = tpu.memref_slice %arg8[%dma_start3A_237, %dma_start3A_238] : memref<2048x16xf32, #tpu.memory_space<vmem>> -> memref<128x16xf32, #tpu.memory_space<vmem>>
      %dma_start3A_240 = arith.constant 0 : i32
      %dma_start3A_241 = tpu.memref_slice %arg7[%dma_start3A_236, %dma_start3A_240] : memref<16x128xi32, #tpu.memory_space<vmem>> -> memref<1x128xi32, #tpu.memory_space<vmem>>
      %dma_start3A_242 = tpu.memref_squeeze %dma_start3A_241 : memref<1x128xi32, #tpu.memory_space<vmem>> -> memref<128xi32, #tpu.memory_space<vmem>>
      %dma_start3A_243 = arith.constant 0 : i32
      %dma_start3A_244 = arith.constant 0 : i32
      %dma_start3A_245 = tpu.memref_slice %arg4[%dma_start3A_243, %dma_start3A_244] : memref<1015808x16xf32, #tpu.memory_space<hbm>> -> memref<1015808x16xf32, #tpu.memory_space<hbm>>
      tpu.enqueue_indirect_dma source(%dma_start3A_245 : memref<1015808x16xf32, #tpu.memory_space<hbm>>) target(%dma_start3A_239 : memref<128x16xf32, #tpu.memory_space<vmem>>) offsets(%dma_start3A_242 : memref<128xi32, #tpu.memory_space<vmem>>) semaphore(%arg10 : memref<!tpu.dma_semaphore, #tpu.memory_space<semaphore_mem>>)
      %dma_start3A_246 = arith.constant 15 : i32
      %dma_start3A_247 = arith.constant 1920 : i32
      %dma_start3A_248 = arith.constant 0 : i32
      %dma_start3A_249 = tpu.memref_slice %arg8[%dma_start3A_247, %dma_start3A_248] : memref<2048x16xf32, #tpu.memory_space<vmem>> -> memref<128x16xf32, #tpu.memory_space<vmem>>
      %dma_start3A_250 = arith.constant 0 : i32
      %dma_start3A_251 = tpu.memref_slice %arg7[%dma_start3A_246, %dma_start3A_250] : memref<16x128xi32, #tpu.memory_space<vmem>> -> memref<1x128xi32, #tpu.memory_space<vmem>>
      %dma_start3A_252 = tpu.memref_squeeze %dma_start3A_251 : memref<1x128xi32, #tpu.memory_space<vmem>> -> memref<128xi32, #tpu.memory_space<vmem>>
      %dma_start3A_253 = arith.constant 0 : i32
      %dma_start3A_254 = arith.constant 0 : i32
      %dma_start3A_255 = tpu.memref_slice %arg4[%dma_start3A_253, %dma_start3A_254] : memref<1015808x16xf32, #tpu.memory_space<hbm>> -> memref<1015808x16xf32, #tpu.memory_space<hbm>>
      tpu.enqueue_indirect_dma source(%dma_start3A_255 : memref<1015808x16xf32, #tpu.memory_space<hbm>>) target(%dma_start3A_249 : memref<128x16xf32, #tpu.memory_space<vmem>>) offsets(%dma_start3A_252 : memref<128xi32, #tpu.memory_space<vmem>>) semaphore(%arg10 : memref<!tpu.dma_semaphore, #tpu.memory_space<semaphore_mem>>)
      %dma_wait3A_256 = arith.constant 0 : i32
      %dma_wait3A_257 = arith.constant 0 : i32
      %dma_wait3A_258 = arith.constant 0 : i32
      %dma_wait3A_259 = tpu.memref_slice %arg8[%dma_wait3A_257, %dma_wait3A_258] : memref<2048x16xf32, #tpu.memory_space<vmem>> -> memref<128x16xf32, #tpu.memory_space<vmem>>
      %dma_wait3A_260 = arith.constant 0 : i32
      %dma_wait3A_261 = tpu.memref_slice %arg7[%dma_wait3A_256, %dma_wait3A_260] : memref<16x128xi32, #tpu.memory_space<vmem>> -> memref<1x128xi32, #tpu.memory_space<vmem>>
      %dma_wait3A_262 = tpu.memref_squeeze %dma_wait3A_261 : memref<1x128xi32, #tpu.memory_space<vmem>> -> memref<128xi32, #tpu.memory_space<vmem>>
      %dma_wait3A_263 = arith.constant 0 : i32
      %dma_wait3A_264 = arith.constant 0 : i32
      %dma_wait3A_265 = tpu.memref_slice %arg4[%dma_wait3A_263, %dma_wait3A_264] : memref<1015808x16xf32, #tpu.memory_space<hbm>> -> memref<1015808x16xf32, #tpu.memory_space<hbm>>
      tpu.wait_indirect_dma semaphore(%arg10 : memref<!tpu.dma_semaphore, #tpu.memory_space<semaphore_mem>>) src(%dma_wait3A_265 : memref<1015808x16xf32, #tpu.memory_space<hbm>>) dst(%dma_wait3A_259 : memref<128x16xf32, #tpu.memory_space<vmem>>)
      %dma_wait3A_266 = arith.constant 1 : i32
      %dma_wait3A_267 = arith.constant 128 : i32
      %dma_wait3A_268 = arith.constant 0 : i32
      %dma_wait3A_269 = tpu.memref_slice %arg8[%dma_wait3A_267, %dma_wait3A_268] : memref<2048x16xf32, #tpu.memory_space<vmem>> -> memref<128x16xf32, #tpu.memory_space<vmem>>
      %dma_wait3A_270 = arith.constant 0 : i32
      %dma_wait3A_271 = tpu.memref_slice %arg7[%dma_wait3A_266, %dma_wait3A_270] : memref<16x128xi32, #tpu.memory_space<vmem>> -> memref<1x128xi32, #tpu.memory_space<vmem>>
      %dma_wait3A_272 = tpu.memref_squeeze %dma_wait3A_271 : memref<1x128xi32, #tpu.memory_space<vmem>> -> memref<128xi32, #tpu.memory_space<vmem>>
      %dma_wait3A_273 = arith.constant 0 : i32
      %dma_wait3A_274 = arith.constant 0 : i32
      %dma_wait3A_275 = tpu.memref_slice %arg4[%dma_wait3A_273, %dma_wait3A_274] : memref<1015808x16xf32, #tpu.memory_space<hbm>> -> memref<1015808x16xf32, #tpu.memory_space<hbm>>
      tpu.wait_indirect_dma semaphore(%arg10 : memref<!tpu.dma_semaphore, #tpu.memory_space<semaphore_mem>>) src(%dma_wait3A_275 : memref<1015808x16xf32, #tpu.memory_space<hbm>>) dst(%dma_wait3A_269 : memref<128x16xf32, #tpu.memory_space<vmem>>)
      %dma_wait3A_276 = arith.constant 2 : i32
      %dma_wait3A_277 = arith.constant 256 : i32
      %dma_wait3A_278 = arith.constant 0 : i32
      %dma_wait3A_279 = tpu.memref_slice %arg8[%dma_wait3A_277, %dma_wait3A_278] : memref<2048x16xf32, #tpu.memory_space<vmem>> -> memref<128x16xf32, #tpu.memory_space<vmem>>
      %dma_wait3A_280 = arith.constant 0 : i32
      %dma_wait3A_281 = tpu.memref_slice %arg7[%dma_wait3A_276, %dma_wait3A_280] : memref<16x128xi32, #tpu.memory_space<vmem>> -> memref<1x128xi32, #tpu.memory_space<vmem>>
      %dma_wait3A_282 = tpu.memref_squeeze %dma_wait3A_281 : memref<1x128xi32, #tpu.memory_space<vmem>> -> memref<128xi32, #tpu.memory_space<vmem>>
      %dma_wait3A_283 = arith.constant 0 : i32
      %dma_wait3A_284 = arith.constant 0 : i32
      %dma_wait3A_285 = tpu.memref_slice %arg4[%dma_wait3A_283, %dma_wait3A_284] : memref<1015808x16xf32, #tpu.memory_space<hbm>> -> memref<1015808x16xf32, #tpu.memory_space<hbm>>
      tpu.wait_indirect_dma semaphore(%arg10 : memref<!tpu.dma_semaphore, #tpu.memory_space<semaphore_mem>>) src(%dma_wait3A_285 : memref<1015808x16xf32, #tpu.memory_space<hbm>>) dst(%dma_wait3A_279 : memref<128x16xf32, #tpu.memory_space<vmem>>)
      %dma_wait3A_286 = arith.constant 3 : i32
      %dma_wait3A_287 = arith.constant 384 : i32
      %dma_wait3A_288 = arith.constant 0 : i32
      %dma_wait3A_289 = tpu.memref_slice %arg8[%dma_wait3A_287, %dma_wait3A_288] : memref<2048x16xf32, #tpu.memory_space<vmem>> -> memref<128x16xf32, #tpu.memory_space<vmem>>
      %dma_wait3A_290 = arith.constant 0 : i32
      %dma_wait3A_291 = tpu.memref_slice %arg7[%dma_wait3A_286, %dma_wait3A_290] : memref<16x128xi32, #tpu.memory_space<vmem>> -> memref<1x128xi32, #tpu.memory_space<vmem>>
      %dma_wait3A_292 = tpu.memref_squeeze %dma_wait3A_291 : memref<1x128xi32, #tpu.memory_space<vmem>> -> memref<128xi32, #tpu.memory_space<vmem>>
      %dma_wait3A_293 = arith.constant 0 : i32
      %dma_wait3A_294 = arith.constant 0 : i32
      %dma_wait3A_295 = tpu.memref_slice %arg4[%dma_wait3A_293, %dma_wait3A_294] : memref<1015808x16xf32, #tpu.memory_space<hbm>> -> memref<1015808x16xf32, #tpu.memory_space<hbm>>
      tpu.wait_indirect_dma semaphore(%arg10 : memref<!tpu.dma_semaphore, #tpu.memory_space<semaphore_mem>>) src(%dma_wait3A_295 : memref<1015808x16xf32, #tpu.memory_space<hbm>>) dst(%dma_wait3A_289 : memref<128x16xf32, #tpu.memory_space<vmem>>)
      %dma_wait3A_296 = arith.constant 4 : i32
      %dma_wait3A_297 = arith.constant 512 : i32
      %dma_wait3A_298 = arith.constant 0 : i32
      %dma_wait3A_299 = tpu.memref_slice %arg8[%dma_wait3A_297, %dma_wait3A_298] : memref<2048x16xf32, #tpu.memory_space<vmem>> -> memref<128x16xf32, #tpu.memory_space<vmem>>
      %dma_wait3A_300 = arith.constant 0 : i32
      %dma_wait3A_301 = tpu.memref_slice %arg7[%dma_wait3A_296, %dma_wait3A_300] : memref<16x128xi32, #tpu.memory_space<vmem>> -> memref<1x128xi32, #tpu.memory_space<vmem>>
      %dma_wait3A_302 = tpu.memref_squeeze %dma_wait3A_301 : memref<1x128xi32, #tpu.memory_space<vmem>> -> memref<128xi32, #tpu.memory_space<vmem>>
      %dma_wait3A_303 = arith.constant 0 : i32
      %dma_wait3A_304 = arith.constant 0 : i32
      %dma_wait3A_305 = tpu.memref_slice %arg4[%dma_wait3A_303, %dma_wait3A_304] : memref<1015808x16xf32, #tpu.memory_space<hbm>> -> memref<1015808x16xf32, #tpu.memory_space<hbm>>
      tpu.wait_indirect_dma semaphore(%arg10 : memref<!tpu.dma_semaphore, #tpu.memory_space<semaphore_mem>>) src(%dma_wait3A_305 : memref<1015808x16xf32, #tpu.memory_space<hbm>>) dst(%dma_wait3A_299 : memref<128x16xf32, #tpu.memory_space<vmem>>)
      %dma_wait3A_306 = arith.constant 5 : i32
      %dma_wait3A_307 = arith.constant 640 : i32
      %dma_wait3A_308 = arith.constant 0 : i32
      %dma_wait3A_309 = tpu.memref_slice %arg8[%dma_wait3A_307, %dma_wait3A_308] : memref<2048x16xf32, #tpu.memory_space<vmem>> -> memref<128x16xf32, #tpu.memory_space<vmem>>
      %dma_wait3A_310 = arith.constant 0 : i32
      %dma_wait3A_311 = tpu.memref_slice %arg7[%dma_wait3A_306, %dma_wait3A_310] : memref<16x128xi32, #tpu.memory_space<vmem>> -> memref<1x128xi32, #tpu.memory_space<vmem>>
      %dma_wait3A_312 = tpu.memref_squeeze %dma_wait3A_311 : memref<1x128xi32, #tpu.memory_space<vmem>> -> memref<128xi32, #tpu.memory_space<vmem>>
      %dma_wait3A_313 = arith.constant 0 : i32
      %dma_wait3A_314 = arith.constant 0 : i32
      %dma_wait3A_315 = tpu.memref_slice %arg4[%dma_wait3A_313, %dma_wait3A_314] : memref<1015808x16xf32, #tpu.memory_space<hbm>> -> memref<1015808x16xf32, #tpu.memory_space<hbm>>
      tpu.wait_indirect_dma semaphore(%arg10 : memref<!tpu.dma_semaphore, #tpu.memory_space<semaphore_mem>>) src(%dma_wait3A_315 : memref<1015808x16xf32, #tpu.memory_space<hbm>>) dst(%dma_wait3A_309 : memref<128x16xf32, #tpu.memory_space<vmem>>)
      %dma_wait3A_316 = arith.constant 6 : i32
      %dma_wait3A_317 = arith.constant 768 : i32
      %dma_wait3A_318 = arith.constant 0 : i32
      %dma_wait3A_319 = tpu.memref_slice %arg8[%dma_wait3A_317, %dma_wait3A_318] : memref<2048x16xf32, #tpu.memory_space<vmem>> -> memref<128x16xf32, #tpu.memory_space<vmem>>
      %dma_wait3A_320 = arith.constant 0 : i32
      %dma_wait3A_321 = tpu.memref_slice %arg7[%dma_wait3A_316, %dma_wait3A_320] : memref<16x128xi32, #tpu.memory_space<vmem>> -> memref<1x128xi32, #tpu.memory_space<vmem>>
      %dma_wait3A_322 = tpu.memref_squeeze %dma_wait3A_321 : memref<1x128xi32, #tpu.memory_space<vmem>> -> memref<128xi32, #tpu.memory_space<vmem>>
      %dma_wait3A_323 = arith.constant 0 : i32
      %dma_wait3A_324 = arith.constant 0 : i32
      %dma_wait3A_325 = tpu.memref_slice %arg4[%dma_wait3A_323, %dma_wait3A_324] : memref<1015808x16xf32, #tpu.memory_space<hbm>> -> memref<1015808x16xf32, #tpu.memory_space<hbm>>
      tpu.wait_indirect_dma semaphore(%arg10 : memref<!tpu.dma_semaphore, #tpu.memory_space<semaphore_mem>>) src(%dma_wait3A_325 : memref<1015808x16xf32, #tpu.memory_space<hbm>>) dst(%dma_wait3A_319 : memref<128x16xf32, #tpu.memory_space<vmem>>)
      %dma_wait3A_326 = arith.constant 7 : i32
      %dma_wait3A_327 = arith.constant 896 : i32
      %dma_wait3A_328 = arith.constant 0 : i32
      %dma_wait3A_329 = tpu.memref_slice %arg8[%dma_wait3A_327, %dma_wait3A_328] : memref<2048x16xf32, #tpu.memory_space<vmem>> -> memref<128x16xf32, #tpu.memory_space<vmem>>
      %dma_wait3A_330 = arith.constant 0 : i32
      %dma_wait3A_331 = tpu.memref_slice %arg7[%dma_wait3A_326, %dma_wait3A_330] : memref<16x128xi32, #tpu.memory_space<vmem>> -> memref<1x128xi32, #tpu.memory_space<vmem>>
      %dma_wait3A_332 = tpu.memref_squeeze %dma_wait3A_331 : memref<1x128xi32, #tpu.memory_space<vmem>> -> memref<128xi32, #tpu.memory_space<vmem>>
      %dma_wait3A_333 = arith.constant 0 : i32
      %dma_wait3A_334 = arith.constant 0 : i32
      %dma_wait3A_335 = tpu.memref_slice %arg4[%dma_wait3A_333, %dma_wait3A_334] : memref<1015808x16xf32, #tpu.memory_space<hbm>> -> memref<1015808x16xf32, #tpu.memory_space<hbm>>
      tpu.wait_indirect_dma semaphore(%arg10 : memref<!tpu.dma_semaphore, #tpu.memory_space<semaphore_mem>>) src(%dma_wait3A_335 : memref<1015808x16xf32, #tpu.memory_space<hbm>>) dst(%dma_wait3A_329 : memref<128x16xf32, #tpu.memory_space<vmem>>)
      %dma_wait3A_336 = arith.constant 8 : i32
      %dma_wait3A_337 = arith.constant 1024 : i32
      %dma_wait3A_338 = arith.constant 0 : i32
      %dma_wait3A_339 = tpu.memref_slice %arg8[%dma_wait3A_337, %dma_wait3A_338] : memref<2048x16xf32, #tpu.memory_space<vmem>> -> memref<128x16xf32, #tpu.memory_space<vmem>>
      %dma_wait3A_340 = arith.constant 0 : i32
      %dma_wait3A_341 = tpu.memref_slice %arg7[%dma_wait3A_336, %dma_wait3A_340] : memref<16x128xi32, #tpu.memory_space<vmem>> -> memref<1x128xi32, #tpu.memory_space<vmem>>
      %dma_wait3A_342 = tpu.memref_squeeze %dma_wait3A_341 : memref<1x128xi32, #tpu.memory_space<vmem>> -> memref<128xi32, #tpu.memory_space<vmem>>
      %dma_wait3A_343 = arith.constant 0 : i32
      %dma_wait3A_344 = arith.constant 0 : i32
      %dma_wait3A_345 = tpu.memref_slice %arg4[%dma_wait3A_343, %dma_wait3A_344] : memref<1015808x16xf32, #tpu.memory_space<hbm>> -> memref<1015808x16xf32, #tpu.memory_space<hbm>>
      tpu.wait_indirect_dma semaphore(%arg10 : memref<!tpu.dma_semaphore, #tpu.memory_space<semaphore_mem>>) src(%dma_wait3A_345 : memref<1015808x16xf32, #tpu.memory_space<hbm>>) dst(%dma_wait3A_339 : memref<128x16xf32, #tpu.memory_space<vmem>>)
      %dma_wait3A_346 = arith.constant 9 : i32
      %dma_wait3A_347 = arith.constant 1152 : i32
      %dma_wait3A_348 = arith.constant 0 : i32
      %dma_wait3A_349 = tpu.memref_slice %arg8[%dma_wait3A_347, %dma_wait3A_348] : memref<2048x16xf32, #tpu.memory_space<vmem>> -> memref<128x16xf32, #tpu.memory_space<vmem>>
      %dma_wait3A_350 = arith.constant 0 : i32
      %dma_wait3A_351 = tpu.memref_slice %arg7[%dma_wait3A_346, %dma_wait3A_350] : memref<16x128xi32, #tpu.memory_space<vmem>> -> memref<1x128xi32, #tpu.memory_space<vmem>>
      %dma_wait3A_352 = tpu.memref_squeeze %dma_wait3A_351 : memref<1x128xi32, #tpu.memory_space<vmem>> -> memref<128xi32, #tpu.memory_space<vmem>>
      %dma_wait3A_353 = arith.constant 0 : i32
      %dma_wait3A_354 = arith.constant 0 : i32
      %dma_wait3A_355 = tpu.memref_slice %arg4[%dma_wait3A_353, %dma_wait3A_354] : memref<1015808x16xf32, #tpu.memory_space<hbm>> -> memref<1015808x16xf32, #tpu.memory_space<hbm>>
      tpu.wait_indirect_dma semaphore(%arg10 : memref<!tpu.dma_semaphore, #tpu.memory_space<semaphore_mem>>) src(%dma_wait3A_355 : memref<1015808x16xf32, #tpu.memory_space<hbm>>) dst(%dma_wait3A_349 : memref<128x16xf32, #tpu.memory_space<vmem>>)
      %dma_wait3A_356 = arith.constant 10 : i32
      %dma_wait3A_357 = arith.constant 1280 : i32
      %dma_wait3A_358 = arith.constant 0 : i32
      %dma_wait3A_359 = tpu.memref_slice %arg8[%dma_wait3A_357, %dma_wait3A_358] : memref<2048x16xf32, #tpu.memory_space<vmem>> -> memref<128x16xf32, #tpu.memory_space<vmem>>
      %dma_wait3A_360 = arith.constant 0 : i32
      %dma_wait3A_361 = tpu.memref_slice %arg7[%dma_wait3A_356, %dma_wait3A_360] : memref<16x128xi32, #tpu.memory_space<vmem>> -> memref<1x128xi32, #tpu.memory_space<vmem>>
      %dma_wait3A_362 = tpu.memref_squeeze %dma_wait3A_361 : memref<1x128xi32, #tpu.memory_space<vmem>> -> memref<128xi32, #tpu.memory_space<vmem>>
      %dma_wait3A_363 = arith.constant 0 : i32
      %dma_wait3A_364 = arith.constant 0 : i32
      %dma_wait3A_365 = tpu.memref_slice %arg4[%dma_wait3A_363, %dma_wait3A_364] : memref<1015808x16xf32, #tpu.memory_space<hbm>> -> memref<1015808x16xf32, #tpu.memory_space<hbm>>
      tpu.wait_indirect_dma semaphore(%arg10 : memref<!tpu.dma_semaphore, #tpu.memory_space<semaphore_mem>>) src(%dma_wait3A_365 : memref<1015808x16xf32, #tpu.memory_space<hbm>>) dst(%dma_wait3A_359 : memref<128x16xf32, #tpu.memory_space<vmem>>)
      %dma_wait3A_366 = arith.constant 11 : i32
      %dma_wait3A_367 = arith.constant 1408 : i32
      %dma_wait3A_368 = arith.constant 0 : i32
      %dma_wait3A_369 = tpu.memref_slice %arg8[%dma_wait3A_367, %dma_wait3A_368] : memref<2048x16xf32, #tpu.memory_space<vmem>> -> memref<128x16xf32, #tpu.memory_space<vmem>>
      %dma_wait3A_370 = arith.constant 0 : i32
      %dma_wait3A_371 = tpu.memref_slice %arg7[%dma_wait3A_366, %dma_wait3A_370] : memref<16x128xi32, #tpu.memory_space<vmem>> -> memref<1x128xi32, #tpu.memory_space<vmem>>
      %dma_wait3A_372 = tpu.memref_squeeze %dma_wait3A_371 : memref<1x128xi32, #tpu.memory_space<vmem>> -> memref<128xi32, #tpu.memory_space<vmem>>
      %dma_wait3A_373 = arith.constant 0 : i32
      %dma_wait3A_374 = arith.constant 0 : i32
      %dma_wait3A_375 = tpu.memref_slice %arg4[%dma_wait3A_373, %dma_wait3A_374] : memref<1015808x16xf32, #tpu.memory_space<hbm>> -> memref<1015808x16xf32, #tpu.memory_space<hbm>>
      tpu.wait_indirect_dma semaphore(%arg10 : memref<!tpu.dma_semaphore, #tpu.memory_space<semaphore_mem>>) src(%dma_wait3A_375 : memref<1015808x16xf32, #tpu.memory_space<hbm>>) dst(%dma_wait3A_369 : memref<128x16xf32, #tpu.memory_space<vmem>>)
      %dma_wait3A_376 = arith.constant 12 : i32
      %dma_wait3A_377 = arith.constant 1536 : i32
      %dma_wait3A_378 = arith.constant 0 : i32
      %dma_wait3A_379 = tpu.memref_slice %arg8[%dma_wait3A_377, %dma_wait3A_378] : memref<2048x16xf32, #tpu.memory_space<vmem>> -> memref<128x16xf32, #tpu.memory_space<vmem>>
      %dma_wait3A_380 = arith.constant 0 : i32
      %dma_wait3A_381 = tpu.memref_slice %arg7[%dma_wait3A_376, %dma_wait3A_380] : memref<16x128xi32, #tpu.memory_space<vmem>> -> memref<1x128xi32, #tpu.memory_space<vmem>>
      %dma_wait3A_382 = tpu.memref_squeeze %dma_wait3A_381 : memref<1x128xi32, #tpu.memory_space<vmem>> -> memref<128xi32, #tpu.memory_space<vmem>>
      %dma_wait3A_383 = arith.constant 0 : i32
      %dma_wait3A_384 = arith.constant 0 : i32
      %dma_wait3A_385 = tpu.memref_slice %arg4[%dma_wait3A_383, %dma_wait3A_384] : memref<1015808x16xf32, #tpu.memory_space<hbm>> -> memref<1015808x16xf32, #tpu.memory_space<hbm>>
      tpu.wait_indirect_dma semaphore(%arg10 : memref<!tpu.dma_semaphore, #tpu.memory_space<semaphore_mem>>) src(%dma_wait3A_385 : memref<1015808x16xf32, #tpu.memory_space<hbm>>) dst(%dma_wait3A_379 : memref<128x16xf32, #tpu.memory_space<vmem>>)
      %dma_wait3A_386 = arith.constant 13 : i32
      %dma_wait3A_387 = arith.constant 1664 : i32
      %dma_wait3A_388 = arith.constant 0 : i32
      %dma_wait3A_389 = tpu.memref_slice %arg8[%dma_wait3A_387, %dma_wait3A_388] : memref<2048x16xf32, #tpu.memory_space<vmem>> -> memref<128x16xf32, #tpu.memory_space<vmem>>
      %dma_wait3A_390 = arith.constant 0 : i32
      %dma_wait3A_391 = tpu.memref_slice %arg7[%dma_wait3A_386, %dma_wait3A_390] : memref<16x128xi32, #tpu.memory_space<vmem>> -> memref<1x128xi32, #tpu.memory_space<vmem>>
      %dma_wait3A_392 = tpu.memref_squeeze %dma_wait3A_391 : memref<1x128xi32, #tpu.memory_space<vmem>> -> memref<128xi32, #tpu.memory_space<vmem>>
      %dma_wait3A_393 = arith.constant 0 : i32
      %dma_wait3A_394 = arith.constant 0 : i32
      %dma_wait3A_395 = tpu.memref_slice %arg4[%dma_wait3A_393, %dma_wait3A_394] : memref<1015808x16xf32, #tpu.memory_space<hbm>> -> memref<1015808x16xf32, #tpu.memory_space<hbm>>
      tpu.wait_indirect_dma semaphore(%arg10 : memref<!tpu.dma_semaphore, #tpu.memory_space<semaphore_mem>>) src(%dma_wait3A_395 : memref<1015808x16xf32, #tpu.memory_space<hbm>>) dst(%dma_wait3A_389 : memref<128x16xf32, #tpu.memory_space<vmem>>)
      %dma_wait3A_396 = arith.constant 14 : i32
      %dma_wait3A_397 = arith.constant 1792 : i32
      %dma_wait3A_398 = arith.constant 0 : i32
      %dma_wait3A_399 = tpu.memref_slice %arg8[%dma_wait3A_397, %dma_wait3A_398] : memref<2048x16xf32, #tpu.memory_space<vmem>> -> memref<128x16xf32, #tpu.memory_space<vmem>>
      %dma_wait3A_400 = arith.constant 0 : i32
      %dma_wait3A_401 = tpu.memref_slice %arg7[%dma_wait3A_396, %dma_wait3A_400] : memref<16x128xi32, #tpu.memory_space<vmem>> -> memref<1x128xi32, #tpu.memory_space<vmem>>
      %dma_wait3A_402 = tpu.memref_squeeze %dma_wait3A_401 : memref<1x128xi32, #tpu.memory_space<vmem>> -> memref<128xi32, #tpu.memory_space<vmem>>
      %dma_wait3A_403 = arith.constant 0 : i32
      %dma_wait3A_404 = arith.constant 0 : i32
      %dma_wait3A_405 = tpu.memref_slice %arg4[%dma_wait3A_403, %dma_wait3A_404] : memref<1015808x16xf32, #tpu.memory_space<hbm>> -> memref<1015808x16xf32, #tpu.memory_space<hbm>>
      tpu.wait_indirect_dma semaphore(%arg10 : memref<!tpu.dma_semaphore, #tpu.memory_space<semaphore_mem>>) src(%dma_wait3A_405 : memref<1015808x16xf32, #tpu.memory_space<hbm>>) dst(%dma_wait3A_399 : memref<128x16xf32, #tpu.memory_space<vmem>>)
      %dma_wait3A_406 = arith.constant 15 : i32
      %dma_wait3A_407 = arith.constant 1920 : i32
      %dma_wait3A_408 = arith.constant 0 : i32
      %dma_wait3A_409 = tpu.memref_slice %arg8[%dma_wait3A_407, %dma_wait3A_408] : memref<2048x16xf32, #tpu.memory_space<vmem>> -> memref<128x16xf32, #tpu.memory_space<vmem>>
      %dma_wait3A_410 = arith.constant 0 : i32
      %dma_wait3A_411 = tpu.memref_slice %arg7[%dma_wait3A_406, %dma_wait3A_410] : memref<16x128xi32, #tpu.memory_space<vmem>> -> memref<1x128xi32, #tpu.memory_space<vmem>>
      %dma_wait3A_412 = tpu.memref_squeeze %dma_wait3A_411 : memref<1x128xi32, #tpu.memory_space<vmem>> -> memref<128xi32, #tpu.memory_space<vmem>>
      %dma_wait3A_413 = arith.constant 0 : i32
      %dma_wait3A_414 = arith.constant 0 : i32
      %dma_wait3A_415 = tpu.memref_slice %arg4[%dma_wait3A_413, %dma_wait3A_414] : memref<1015808x16xf32, #tpu.memory_space<hbm>> -> memref<1015808x16xf32, #tpu.memory_space<hbm>>
      tpu.wait_indirect_dma semaphore(%arg10 : memref<!tpu.dma_semaphore, #tpu.memory_space<semaphore_mem>>) src(%dma_wait3A_415 : memref<1015808x16xf32, #tpu.memory_space<hbm>>) dst(%dma_wait3A_409 : memref<128x16xf32, #tpu.memory_space<vmem>>)
      %scan3A_416 = arith.constant 0 : i32
      %scan3A_417 = arith.constant 0 : i32
      %scan3A_418 = arith.constant 128 : i32
      %scan3A_419 = arith.addi %scan3A_417, %scan3A_418 : i32
      %scan3A_420 = arith.constant 1 : i32
      scf.for %scan3A_424 = %scan3A_417 to %scan3A_419 step %scan3A_420  : i32 {
        %mul3A_425 = arith.constant 16 : i32
        %mul3A_426 = arith.muli %scan3A_424, %mul3A_425 : i32
        %add3A_427 = arith.constant 0 : i32
        %add3A_428 = arith.addi %mul3A_426, %add3A_427 : i32
        %get3A = arith.index_cast %add3A_428 : i32 to index
        %get3A_429 = arith.constant 0 : index
        %get3A_430 = tpu.vector_load %arg8[%get3A, %get3A_429] {strides = array<i32>} : memref<2048x16xf32, #tpu.memory_space<vmem>>, vector<1x16xf32>,
        %get3A_431 = vector.shape_cast %get3A_430 : vector<1x16xf32> to vector<16xf32>
        %swap3A = arith.index_cast %scan3A_424 : i32 to index
        %swap3A_432 = arith.constant 0 : index
        %swap3A_433 = tpu.vector_load %arg9[%swap3A, %swap3A_432] {strides = array<i32>} : memref<128x256xf32, #tpu.memory_space<vmem>>, vector<1x16xf32>,
        %swap3A_434 = vector.shape_cast %swap3A_433 : vector<1x16xf32> to vector<16xf32>
        %swap3A_435 = vector.shape_cast %get3A_431 : vector<16xf32> to vector<1x16xf32>
        tpu.vector_store %arg9[%swap3A, %swap3A_432], %swap3A_435 {strides = array<i32>} : memref<128x256xf32, #tpu.memory_space<vmem>>, vector<1x16xf32>,
        %mul3A_436 = arith.constant 16 : i32
        %mul3A_437 = arith.muli %scan3A_424, %mul3A_436 : i32
        %add3A_438 = arith.constant 1 : i32
        %add3A_439 = arith.addi %mul3A_437, %add3A_438 : i32
        %get3A_440 = arith.index_cast %add3A_439 : i32 to index
        %get3A_441 = arith.constant 0 : index
        %get3A_442 = tpu.vector_load %arg8[%get3A_440, %get3A_441] {strides = array<i32>} : memref<2048x16xf32, #tpu.memory_space<vmem>>, vector<1x16xf32>,
        %get3A_443 = vector.shape_cast %get3A_442 : vector<1x16xf32> to vector<16xf32>
        %swap3A_444 = arith.index_cast %scan3A_424 : i32 to index
        %swap3A_445 = arith.constant 16 : index
        %swap3A_446 = tpu.vector_load %arg9[%swap3A_444, %swap3A_445] {strides = array<i32>} : memref<128x256xf32, #tpu.memory_space<vmem>>, vector<1x16xf32>,
        %swap3A_447 = vector.shape_cast %swap3A_446 : vector<1x16xf32> to vector<16xf32>
        %swap3A_448 = vector.shape_cast %get3A_443 : vector<16xf32> to vector<1x16xf32>
        tpu.vector_store %arg9[%swap3A_444, %swap3A_445], %swap3A_448 {strides = array<i32>} : memref<128x256xf32, #tpu.memory_space<vmem>>, vector<1x16xf32>,
        %mul3A_449 = arith.constant 16 : i32
        %mul3A_450 = arith.muli %scan3A_424, %mul3A_449 : i32
        %add3A_451 = arith.constant 2 : i32
        %add3A_452 = arith.addi %mul3A_450, %add3A_451 : i32
        %get3A_453 = arith.index_cast %add3A_452 : i32 to index
        %get3A_454 = arith.constant 0 : index
        %get3A_455 = tpu.vector_load %arg8[%get3A_453, %get3A_454] {strides = array<i32>} : memref<2048x16xf32, #tpu.memory_space<vmem>>, vector<1x16xf32>,
        %get3A_456 = vector.shape_cast %get3A_455 : vector<1x16xf32> to vector<16xf32>
        %swap3A_457 = arith.index_cast %scan3A_424 : i32 to index
        %swap3A_458 = arith.constant 32 : index
        %swap3A_459 = tpu.vector_load %arg9[%swap3A_457, %swap3A_458] {strides = array<i32>} : memref<128x256xf32, #tpu.memory_space<vmem>>, vector<1x16xf32>,
        %swap3A_460 = vector.shape_cast %swap3A_459 : vector<1x16xf32> to vector<16xf32>
        %swap3A_461 = vector.shape_cast %get3A_456 : vector<16xf32> to vector<1x16xf32>
        tpu.vector_store %arg9[%swap3A_457, %swap3A_458], %swap3A_461 {strides = array<i32>} : memref<128x256xf32, #tpu.memory_space<vmem>>, vector<1x16xf32>,
        %mul3A_462 = arith.constant 16 : i32
        %mul3A_463 = arith.muli %scan3A_424, %mul3A_462 : i32
        %add3A_464 = arith.constant 3 : i32
        %add3A_465 = arith.addi %mul3A_463, %add3A_464 : i32
        %get3A_466 = arith.index_cast %add3A_465 : i32 to index
        %get3A_467 = arith.constant 0 : index
        %get3A_468 = tpu.vector_load %arg8[%get3A_466, %get3A_467] {strides = array<i32>} : memref<2048x16xf32, #tpu.memory_space<vmem>>, vector<1x16xf32>,
        %get3A_469 = vector.shape_cast %get3A_468 : vector<1x16xf32> to vector<16xf32>
        %swap3A_470 = arith.index_cast %scan3A_424 : i32 to index
        %swap3A_471 = arith.constant 48 : index
        %swap3A_472 = tpu.vector_load %arg9[%swap3A_470, %swap3A_471] {strides = array<i32>} : memref<128x256xf32, #tpu.memory_space<vmem>>, vector<1x16xf32>,
        %swap3A_473 = vector.shape_cast %swap3A_472 : vector<1x16xf32> to vector<16xf32>
        %swap3A_474 = vector.shape_cast %get3A_469 : vector<16xf32> to vector<1x16xf32>
        tpu.vector_store %arg9[%swap3A_470, %swap3A_471], %swap3A_474 {strides = array<i32>} : memref<128x256xf32, #tpu.memory_space<vmem>>, vector<1x16xf32>,
        %mul3A_475 = arith.constant 16 : i32
        %mul3A_476 = arith.muli %scan3A_424, %mul3A_475 : i32
        %add3A_477 = arith.constant 4 : i32
        %add3A_478 = arith.addi %mul3A_476, %add3A_477 : i32
        %get3A_479 = arith.index_cast %add3A_478 : i32 to index
        %get3A_480 = arith.constant 0 : index
        %get3A_481 = tpu.vector_load %arg8[%get3A_479, %get3A_480] {strides = array<i32>} : memref<2048x16xf32, #tpu.memory_space<vmem>>, vector<1x16xf32>,
        %get3A_482 = vector.shape_cast %get3A_481 : vector<1x16xf32> to vector<16xf32>
        %swap3A_483 = arith.index_cast %scan3A_424 : i32 to index
        %swap3A_484 = arith.constant 64 : index
        %swap3A_485 = tpu.vector_load %arg9[%swap3A_483, %swap3A_484] {strides = array<i32>} : memref<128x256xf32, #tpu.memory_space<vmem>>, vector<1x16xf32>,
        %swap3A_486 = vector.shape_cast %swap3A_485 : vector<1x16xf32> to vector<16xf32>
        %swap3A_487 = vector.shape_cast %get3A_482 : vector<16xf32> to vector<1x16xf32>
        tpu.vector_store %arg9[%swap3A_483, %swap3A_484], %swap3A_487 {strides = array<i32>} : memref<128x256xf32, #tpu.memory_space<vmem>>, vector<1x16xf32>,
        %mul3A_488 = arith.constant 16 : i32
        %mul3A_489 = arith.muli %scan3A_424, %mul3A_488 : i32
        %add3A_490 = arith.constant 5 : i32
        %add3A_491 = arith.addi %mul3A_489, %add3A_490 : i32
        %get3A_492 = arith.index_cast %add3A_491 : i32 to index
        %get3A_493 = arith.constant 0 : index
        %get3A_494 = tpu.vector_load %arg8[%get3A_492, %get3A_493] {strides = array<i32>} : memref<2048x16xf32, #tpu.memory_space<vmem>>, vector<1x16xf32>,
        %get3A_495 = vector.shape_cast %get3A_494 : vector<1x16xf32> to vector<16xf32>
        %swap3A_496 = arith.index_cast %scan3A_424 : i32 to index
        %swap3A_497 = arith.constant 80 : index
        %swap3A_498 = tpu.vector_load %arg9[%swap3A_496, %swap3A_497] {strides = array<i32>} : memref<128x256xf32, #tpu.memory_space<vmem>>, vector<1x16xf32>,
        %swap3A_499 = vector.shape_cast %swap3A_498 : vector<1x16xf32> to vector<16xf32>
        %swap3A_500 = vector.shape_cast %get3A_495 : vector<16xf32> to vector<1x16xf32>
        tpu.vector_store %arg9[%swap3A_496, %swap3A_497], %swap3A_500 {strides = array<i32>} : memref<128x256xf32, #tpu.memory_space<vmem>>, vector<1x16xf32>,
        %mul3A_501 = arith.constant 16 : i32
        %mul3A_502 = arith.muli %scan3A_424, %mul3A_501 : i32
        %add3A_503 = arith.constant 6 : i32
        %add3A_504 = arith.addi %mul3A_502, %add3A_503 : i32
        %get3A_505 = arith.index_cast %add3A_504 : i32 to index
        %get3A_506 = arith.constant 0 : index
        %get3A_507 = tpu.vector_load %arg8[%get3A_505, %get3A_506] {strides = array<i32>} : memref<2048x16xf32, #tpu.memory_space<vmem>>, vector<1x16xf32>,
        %get3A_508 = vector.shape_cast %get3A_507 : vector<1x16xf32> to vector<16xf32>
        %swap3A_509 = arith.index_cast %scan3A_424 : i32 to index
        %swap3A_510 = arith.constant 96 : index
        %swap3A_511 = tpu.vector_load %arg9[%swap3A_509, %swap3A_510] {strides = array<i32>} : memref<128x256xf32, #tpu.memory_space<vmem>>, vector<1x16xf32>,
        %swap3A_512 = vector.shape_cast %swap3A_511 : vector<1x16xf32> to vector<16xf32>
        %swap3A_513 = vector.shape_cast %get3A_508 : vector<16xf32> to vector<1x16xf32>
        tpu.vector_store %arg9[%swap3A_509, %swap3A_510], %swap3A_513 {strides = array<i32>} : memref<128x256xf32, #tpu.memory_space<vmem>>, vector<1x16xf32>,
        %mul3A_514 = arith.constant 16 : i32
        %mul3A_515 = arith.muli %scan3A_424, %mul3A_514 : i32
        %add3A_516 = arith.constant 7 : i32
        %add3A_517 = arith.addi %mul3A_515, %add3A_516 : i32
        %get3A_518 = arith.index_cast %add3A_517 : i32 to index
        %get3A_519 = arith.constant 0 : index
        %get3A_520 = tpu.vector_load %arg8[%get3A_518, %get3A_519] {strides = array<i32>} : memref<2048x16xf32, #tpu.memory_space<vmem>>, vector<1x16xf32>,
        %get3A_521 = vector.shape_cast %get3A_520 : vector<1x16xf32> to vector<16xf32>
        %swap3A_522 = arith.index_cast %scan3A_424 : i32 to index
        %swap3A_523 = arith.constant 112 : index
        %swap3A_524 = tpu.vector_load %arg9[%swap3A_522, %swap3A_523] {strides = array<i32>} : memref<128x256xf32, #tpu.memory_space<vmem>>, vector<1x16xf32>,
        %swap3A_525 = vector.shape_cast %swap3A_524 : vector<1x16xf32> to vector<16xf32>
        %swap3A_526 = vector.shape_cast %get3A_521 : vector<16xf32> to vector<1x16xf32>
        tpu.vector_store %arg9[%swap3A_522, %swap3A_523], %swap3A_526 {strides = array<i32>} : memref<128x256xf32, #tpu.memory_space<vmem>>, vector<1x16xf32>,
        %mul3A_527 = arith.constant 16 : i32
        %mul3A_528 = arith.muli %scan3A_424, %mul3A_527 : i32
        %add3A_529 = arith.constant 8 : i32
        %add3A_530 = arith.addi %mul3A_528, %add3A_529 : i32
        %get3A_531 = arith.index_cast %add3A_530 : i32 to index
        %get3A_532 = arith.constant 0 : index
        %get3A_533 = tpu.vector_load %arg8[%get3A_531, %get3A_532] {strides = array<i32>} : memref<2048x16xf32, #tpu.memory_space<vmem>>, vector<1x16xf32>,
        %get3A_534 = vector.shape_cast %get3A_533 : vector<1x16xf32> to vector<16xf32>
        %swap3A_535 = arith.index_cast %scan3A_424 : i32 to index
        %swap3A_536 = arith.constant 128 : index
        %swap3A_537 = tpu.vector_load %arg9[%swap3A_535, %swap3A_536] {strides = array<i32>} : memref<128x256xf32, #tpu.memory_space<vmem>>, vector<1x16xf32>,
        %swap3A_538 = vector.shape_cast %swap3A_537 : vector<1x16xf32> to vector<16xf32>
        %swap3A_539 = vector.shape_cast %get3A_534 : vector<16xf32> to vector<1x16xf32>
        tpu.vector_store %arg9[%swap3A_535, %swap3A_536], %swap3A_539 {strides = array<i32>} : memref<128x256xf32, #tpu.memory_space<vmem>>, vector<1x16xf32>,
        %mul3A_540 = arith.constant 16 : i32
        %mul3A_541 = arith.muli %scan3A_424, %mul3A_540 : i32
        %add3A_542 = arith.constant 9 : i32
        %add3A_543 = arith.addi %mul3A_541, %add3A_542 : i32
        %get3A_544 = arith.index_cast %add3A_543 : i32 to index
        %get3A_545 = arith.constant 0 : index
        %get3A_546 = tpu.vector_load %arg8[%get3A_544, %get3A_545] {strides = array<i32>} : memref<2048x16xf32, #tpu.memory_space<vmem>>, vector<1x16xf32>,
        %get3A_547 = vector.shape_cast %get3A_546 : vector<1x16xf32> to vector<16xf32>
        %swap3A_548 = arith.index_cast %scan3A_424 : i32 to index
        %swap3A_549 = arith.constant 144 : index
        %swap3A_550 = tpu.vector_load %arg9[%swap3A_548, %swap3A_549] {strides = array<i32>} : memref<128x256xf32, #tpu.memory_space<vmem>>, vector<1x16xf32>,
        %swap3A_551 = vector.shape_cast %swap3A_550 : vector<1x16xf32> to vector<16xf32>
        %swap3A_552 = vector.shape_cast %get3A_547 : vector<16xf32> to vector<1x16xf32>
        tpu.vector_store %arg9[%swap3A_548, %swap3A_549], %swap3A_552 {strides = array<i32>} : memref<128x256xf32, #tpu.memory_space<vmem>>, vector<1x16xf32>,
        %mul3A_553 = arith.constant 16 : i32
        %mul3A_554 = arith.muli %scan3A_424, %mul3A_553 : i32
        %add3A_555 = arith.constant 10 : i32
        %add3A_556 = arith.addi %mul3A_554, %add3A_555 : i32
        %get3A_557 = arith.index_cast %add3A_556 : i32 to index
        %get3A_558 = arith.constant 0 : index
        %get3A_559 = tpu.vector_load %arg8[%get3A_557, %get3A_558] {strides = array<i32>} : memref<2048x16xf32, #tpu.memory_space<vmem>>, vector<1x16xf32>,
        %get3A_560 = vector.shape_cast %get3A_559 : vector<1x16xf32> to vector<16xf32>
        %swap3A_561 = arith.index_cast %scan3A_424 : i32 to index
        %swap3A_562 = arith.constant 160 : index
        %swap3A_563 = tpu.vector_load %arg9[%swap3A_561, %swap3A_562] {strides = array<i32>} : memref<128x256xf32, #tpu.memory_space<vmem>>, vector<1x16xf32>,
        %swap3A_564 = vector.shape_cast %swap3A_563 : vector<1x16xf32> to vector<16xf32>
        %swap3A_565 = vector.shape_cast %get3A_560 : vector<16xf32> to vector<1x16xf32>
        tpu.vector_store %arg9[%swap3A_561, %swap3A_562], %swap3A_565 {strides = array<i32>} : memref<128x256xf32, #tpu.memory_space<vmem>>, vector<1x16xf32>,
        %mul3A_566 = arith.constant 16 : i32
        %mul3A_567 = arith.muli %scan3A_424, %mul3A_566 : i32
        %add3A_568 = arith.constant 11 : i32
        %add3A_569 = arith.addi %mul3A_567, %add3A_568 : i32
        %get3A_570 = arith.index_cast %add3A_569 : i32 to index
        %get3A_571 = arith.constant 0 : index
        %get3A_572 = tpu.vector_load %arg8[%get3A_570, %get3A_571] {strides = array<i32>} : memref<2048x16xf32, #tpu.memory_space<vmem>>, vector<1x16xf32>,
        %get3A_573 = vector.shape_cast %get3A_572 : vector<1x16xf32> to vector<16xf32>
        %swap3A_574 = arith.index_cast %scan3A_424 : i32 to index
        %swap3A_575 = arith.constant 176 : index
        %swap3A_576 = tpu.vector_load %arg9[%swap3A_574, %swap3A_575] {strides = array<i32>} : memref<128x256xf32, #tpu.memory_space<vmem>>, vector<1x16xf32>,
        %swap3A_577 = vector.shape_cast %swap3A_576 : vector<1x16xf32> to vector<16xf32>
        %swap3A_578 = vector.shape_cast %get3A_573 : vector<16xf32> to vector<1x16xf32>
        tpu.vector_store %arg9[%swap3A_574, %swap3A_575], %swap3A_578 {strides = array<i32>} : memref<128x256xf32, #tpu.memory_space<vmem>>, vector<1x16xf32>,
        %mul3A_579 = arith.constant 16 : i32
        %mul3A_580 = arith.muli %scan3A_424, %mul3A_579 : i32
        %add3A_581 = arith.constant 12 : i32
        %add3A_582 = arith.addi %mul3A_580, %add3A_581 : i32
        %get3A_583 = arith.index_cast %add3A_582 : i32 to index
        %get3A_584 = arith.constant 0 : index
        %get3A_585 = tpu.vector_load %arg8[%get3A_583, %get3A_584] {strides = array<i32>} : memref<2048x16xf32, #tpu.memory_space<vmem>>, vector<1x16xf32>,
        %get3A_586 = vector.shape_cast %get3A_585 : vector<1x16xf32> to vector<16xf32>
        %swap3A_587 = arith.index_cast %scan3A_424 : i32 to index
        %swap3A_588 = arith.constant 192 : index
        %swap3A_589 = tpu.vector_load %arg9[%swap3A_587, %swap3A_588] {strides = array<i32>} : memref<128x256xf32, #tpu.memory_space<vmem>>, vector<1x16xf32>,
        %swap3A_590 = vector.shape_cast %swap3A_589 : vector<1x16xf32> to vector<16xf32>
        %swap3A_591 = vector.shape_cast %get3A_586 : vector<16xf32> to vector<1x16xf32>
        tpu.vector_store %arg9[%swap3A_587, %swap3A_588], %swap3A_591 {strides = array<i32>} : memref<128x256xf32, #tpu.memory_space<vmem>>, vector<1x16xf32>,
        %mul3A_592 = arith.constant 16 : i32
        %mul3A_593 = arith.muli %scan3A_424, %mul3A_592 : i32
        %add3A_594 = arith.constant 13 : i32
        %add3A_595 = arith.addi %mul3A_593, %add3A_594 : i32
        %get3A_596 = arith.index_cast %add3A_595 : i32 to index
        %get3A_597 = arith.constant 0 : index
        %get3A_598 = tpu.vector_load %arg8[%get3A_596, %get3A_597] {strides = array<i32>} : memref<2048x16xf32, #tpu.memory_space<vmem>>, vector<1x16xf32>,
        %get3A_599 = vector.shape_cast %get3A_598 : vector<1x16xf32> to vector<16xf32>
        %swap3A_600 = arith.index_cast %scan3A_424 : i32 to index
        %swap3A_601 = arith.constant 208 : index
        %swap3A_602 = tpu.vector_load %arg9[%swap3A_600, %swap3A_601] {strides = array<i32>} : memref<128x256xf32, #tpu.memory_space<vmem>>, vector<1x16xf32>,
        %swap3A_603 = vector.shape_cast %swap3A_602 : vector<1x16xf32> to vector<16xf32>
        %swap3A_604 = vector.shape_cast %get3A_599 : vector<16xf32> to vector<1x16xf32>
        tpu.vector_store %arg9[%swap3A_600, %swap3A_601], %swap3A_604 {strides = array<i32>} : memref<128x256xf32, #tpu.memory_space<vmem>>, vector<1x16xf32>,
        %mul3A_605 = arith.constant 16 : i32
        %mul3A_606 = arith.muli %scan3A_424, %mul3A_605 : i32
        %add3A_607 = arith.constant 14 : i32
        %add3A_608 = arith.addi %mul3A_606, %add3A_607 : i32
        %get3A_609 = arith.index_cast %add3A_608 : i32 to index
        %get3A_610 = arith.constant 0 : index
        %get3A_611 = tpu.vector_load %arg8[%get3A_609, %get3A_610] {strides = array<i32>} : memref<2048x16xf32, #tpu.memory_space<vmem>>, vector<1x16xf32>,
        %get3A_612 = vector.shape_cast %get3A_611 : vector<1x16xf32> to vector<16xf32>
        %swap3A_613 = arith.index_cast %scan3A_424 : i32 to index
        %swap3A_614 = arith.constant 224 : index
        %swap3A_615 = tpu.vector_load %arg9[%swap3A_613, %swap3A_614] {strides = array<i32>} : memref<128x256xf32, #tpu.memory_space<vmem>>, vector<1x16xf32>,
        %swap3A_616 = vector.shape_cast %swap3A_615 : vector<1x16xf32> to vector<16xf32>
        %swap3A_617 = vector.shape_cast %get3A_612 : vector<16xf32> to vector<1x16xf32>
        tpu.vector_store %arg9[%swap3A_613, %swap3A_614], %swap3A_617 {strides = array<i32>} : memref<128x256xf32, #tpu.memory_space<vmem>>, vector<1x16xf32>,
        %mul3A_618 = arith.constant 16 : i32
        %mul3A_619 = arith.muli %scan3A_424, %mul3A_618 : i32
        %add3A_620 = arith.constant 15 : i32
        %add3A_621 = arith.addi %mul3A_619, %add3A_620 : i32
        %get3A_622 = arith.index_cast %add3A_621 : i32 to index
        %get3A_623 = arith.constant 0 : index
        %get3A_624 = tpu.vector_load %arg8[%get3A_622, %get3A_623] {strides = array<i32>} : memref<2048x16xf32, #tpu.memory_space<vmem>>, vector<1x16xf32>,
        %get3A_625 = vector.shape_cast %get3A_624 : vector<1x16xf32> to vector<16xf32>
        %swap3A_626 = arith.index_cast %scan3A_424 : i32 to index
        %swap3A_627 = arith.constant 240 : index
        %swap3A_628 = tpu.vector_load %arg9[%swap3A_626, %swap3A_627] {strides = array<i32>} : memref<128x256xf32, #tpu.memory_space<vmem>>, vector<1x16xf32>,
        %swap3A_629 = vector.shape_cast %swap3A_628 : vector<1x16xf32> to vector<16xf32>
        %swap3A_630 = vector.shape_cast %get3A_625 : vector<16xf32> to vector<1x16xf32>
        tpu.vector_store %arg9[%swap3A_626, %swap3A_627], %swap3A_630 {strides = array<i32>} : memref<128x256xf32, #tpu.memory_space<vmem>>, vector<1x16xf32>,
      }
      %scan3A_421 = arith.constant 128 : i32
      %mul3A_422 = arith.constant 8 : i32
      %mul3A_423 = arith.muli %add3A_95, %mul3A_422 : i32
      "tpu.region"() ({
        %run_scoped3A = tpu.sem_alloc : memref<!tpu.dma_semaphore, #tpu.memory_space<semaphore_mem>>
        %dma_start3A_424 = arith.constant 0 : i32
        %dma_start3A_425 = tpu.memref_slice %arg5[%mul3A_423, %dma_start3A_424] : memref<65536x256xf32, #tpu.memory_space<hbm>> -> memref<128x256xf32, #tpu.memory_space<hbm>>
        %dma_start3A_426 = arith.constant 0 : i32
        %dma_start3A_427 = tpu.memref_slice %arg5[%mul3A_423, %dma_start3A_426] : memref<65536x256xf32, #tpu.memory_space<hbm>> -> memref<128x256xf32, #tpu.memory_space<hbm>>
        tpu.enqueue_dma source(%arg9 : memref<128x256xf32, #tpu.memory_space<vmem>>) target(%dma_start3A_427 : memref<128x256xf32, #tpu.memory_space<hbm>>) target_semaphore(%run_scoped3A : memref<!tpu.dma_semaphore, #tpu.memory_space<semaphore_mem>>)
        %dma_wait3A_428 = arith.constant 0 : i32
        %dma_wait3A_429 = tpu.memref_slice %arg5[%mul3A_423, %dma_wait3A_428] : memref<65536x256xf32, #tpu.memory_space<hbm>> -> memref<128x256xf32, #tpu.memory_space<hbm>>
        %dma_wait3A_430 = arith.constant 0 : i32
        %dma_wait3A_431 = tpu.memref_slice %arg5[%mul3A_423, %dma_wait3A_430] : memref<65536x256xf32, #tpu.memory_space<hbm>> -> memref<128x256xf32, #tpu.memory_space<hbm>>
        tpu.wait_dma2 semaphore(%run_scoped3A : memref<!tpu.dma_semaphore, #tpu.memory_space<semaphore_mem>>) src(%arg9 : memref<128x256xf32, #tpu.memory_space<vmem>>) dst(%dma_wait3A_431 : memref<128x256xf32, #tpu.memory_space<hbm>>)
        tpu.yield
      }) : () -> ()
    }
    %scan3A_5 = arith.constant 16 : i32
    %mul3A_6 = arith.constant 4 : i32
    %mul3A_7 = arith.muli %add3A, %mul3A_6 : i32
    "tpu.region"() ({
      %run_scoped3A = tpu.sem_alloc : memref<!tpu.dma_semaphore, #tpu.memory_space<semaphore_mem>>
      %dma_start3A_90 = arith.constant 0 : i32
      %dma_start3A_91 = arith.constant 0 : i32
      %dma_start3A_92 = tpu.memref_slice %arg7[%dma_start3A_90, %dma_start3A_91] : memref<16x128xi32, #tpu.memory_space<vmem>> -> memref<4x128xi32, #tpu.memory_space<vmem>>
      %dma_start3A_93 = arith.constant 0 : i32
      %dma_start3A_94 = tpu.memref_slice %arg3[%mul3A_7, %dma_start3A_93] : memref<128x128xi32, #tpu.memory_space<hbm>> -> memref<4x128xi32, #tpu.memory_space<hbm>>
      %dma_start3A_95 = arith.constant 0 : i32
      %dma_start3A_96 = arith.constant 0 : i32
      %dma_start3A_97 = tpu.memref_slice %arg7[%dma_start3A_95, %dma_start3A_96] : memref<16x128xi32, #tpu.memory_space<vmem>> -> memref<4x128xi32, #tpu.memory_space<vmem>>
      %dma_start3A_98 = arith.constant 0 : i32
      %dma_start3A_99 = tpu.memref_slice %arg3[%mul3A_7, %dma_start3A_98] : memref<128x128xi32, #tpu.memory_space<hbm>> -> memref<4x128xi32, #tpu.memory_space<hbm>>
      tpu.enqueue_dma source(%dma_start3A_99 : memref<4x128xi32, #tpu.memory_space<hbm>>) target(%dma_start3A_97 : memref<4x128xi32, #tpu.memory_space<vmem>>) target_semaphore(%run_scoped3A : memref<!tpu.dma_semaphore, #tpu.memory_space<semaphore_mem>>)
      %dma_wait3A_100 = arith.constant 0 : i32
      %dma_wait3A_101 = arith.constant 0 : i32
      %dma_wait3A_102 = tpu.memref_slice %arg7[%dma_wait3A_100, %dma_wait3A_101] : memref<16x128xi32, #tpu.memory_space<vmem>> -> memref<4x128xi32, #tpu.memory_space<vmem>>
      %dma_wait3A_103 = arith.constant 0 : i32
      %dma_wait3A_104 = tpu.memref_slice %arg3[%mul3A_7, %dma_wait3A_103] : memref<128x128xi32, #tpu.memory_space<hbm>> -> memref<4x128xi32, #tpu.memory_space<hbm>>
      %dma_wait3A_105 = arith.constant 0 : i32
      %dma_wait3A_106 = arith.constant 0 : i32
      %dma_wait3A_107 = tpu.memref_slice %arg7[%dma_wait3A_105, %dma_wait3A_106] : memref<16x128xi32, #tpu.memory_space<vmem>> -> memref<4x128xi32, #tpu.memory_space<vmem>>
      %dma_wait3A_108 = arith.constant 0 : i32
      %dma_wait3A_109 = tpu.memref_slice %arg3[%mul3A_7, %dma_wait3A_108] : memref<128x128xi32, #tpu.memory_space<hbm>> -> memref<4x128xi32, #tpu.memory_space<hbm>>
      tpu.wait_dma2 semaphore(%run_scoped3A : memref<!tpu.dma_semaphore, #tpu.memory_space<semaphore_mem>>) src(%dma_wait3A_109 : memref<4x128xi32, #tpu.memory_space<hbm>>) dst(%dma_wait3A_107 : memref<4x128xi32, #tpu.memory_space<vmem>>)
      tpu.yield
    }) : () -> ()
    %dma_start3A = arith.constant 0 : i32
    %dma_start3A_8 = arith.constant 0 : i32
    %dma_start3A_9 = arith.constant 0 : i32
    %dma_start3A_10 = tpu.memref_slice %arg8[%dma_start3A_8, %dma_start3A_9] : memref<2048x16xf32, #tpu.memory_space<vmem>> -> memref<128x16xf32, #tpu.memory_space<vmem>>
    %dma_start3A_11 = arith.constant 0 : i32
    %dma_start3A_12 = tpu.memref_slice %arg7[%dma_start3A, %dma_start3A_11] : memref<16x128xi32, #tpu.memory_space<vmem>> -> memref<1x128xi32, #tpu.memory_space<vmem>>
    %dma_start3A_13 = tpu.memref_squeeze %dma_start3A_12 : memref<1x128xi32, #tpu.memory_space<vmem>> -> memref<128xi32, #tpu.memory_space<vmem>>
    %dma_start3A_14 = arith.constant 0 : i32
    %dma_start3A_15 = arith.constant 0 : i32
    %dma_start3A_16 = tpu.memref_slice %arg4[%dma_start3A_14, %dma_start3A_15] : memref<1015808x16xf32, #tpu.memory_space<hbm>> -> memref<1015808x16xf32, #tpu.memory_space<hbm>>
    tpu.enqueue_indirect_dma source(%dma_start3A_16 : memref<1015808x16xf32, #tpu.memory_space<hbm>>) target(%dma_start3A_10 : memref<128x16xf32, #tpu.memory_space<vmem>>) offsets(%dma_start3A_13 : memref<128xi32, #tpu.memory_space<vmem>>) semaphore(%arg10 : memref<!tpu.dma_semaphore, #tpu.memory_space<semaphore_mem>>)
    %dma_start3A_17 = arith.constant 1 : i32
    %dma_start3A_18 = arith.constant 128 : i32
    %dma_start3A_19 = arith.constant 0 : i32
    %dma_start3A_20 = tpu.memref_slice %arg8[%dma_start3A_18, %dma_start3A_19] : memref<2048x16xf32, #tpu.memory_space<vmem>> -> memref<128x16xf32, #tpu.memory_space<vmem>>
    %dma_start3A_21 = arith.constant 0 : i32
    %dma_start3A_22 = tpu.memref_slice %arg7[%dma_start3A_17, %dma_start3A_21] : memref<16x128xi32, #tpu.memory_space<vmem>> -> memref<1x128xi32, #tpu.memory_space<vmem>>
    %dma_start3A_23 = tpu.memref_squeeze %dma_start3A_22 : memref<1x128xi32, #tpu.memory_space<vmem>> -> memref<128xi32, #tpu.memory_space<vmem>>
    %dma_start3A_24 = arith.constant 0 : i32
    %dma_start3A_25 = arith.constant 0 : i32
    %dma_start3A_26 = tpu.memref_slice %arg4[%dma_start3A_24, %dma_start3A_25] : memref<1015808x16xf32, #tpu.memory_space<hbm>> -> memref<1015808x16xf32, #tpu.memory_space<hbm>>
    tpu.enqueue_indirect_dma source(%dma_start3A_26 : memref<1015808x16xf32, #tpu.memory_space<hbm>>) target(%dma_start3A_20 : memref<128x16xf32, #tpu.memory_space<vmem>>) offsets(%dma_start3A_23 : memref<128xi32, #tpu.memory_space<vmem>>) semaphore(%arg10 : memref<!tpu.dma_semaphore, #tpu.memory_space<semaphore_mem>>)
    %dma_start3A_27 = arith.constant 2 : i32
    %dma_start3A_28 = arith.constant 256 : i32
    %dma_start3A_29 = arith.constant 0 : i32
    %dma_start3A_30 = tpu.memref_slice %arg8[%dma_start3A_28, %dma_start3A_29] : memref<2048x16xf32, #tpu.memory_space<vmem>> -> memref<128x16xf32, #tpu.memory_space<vmem>>
    %dma_start3A_31 = arith.constant 0 : i32
    %dma_start3A_32 = tpu.memref_slice %arg7[%dma_start3A_27, %dma_start3A_31] : memref<16x128xi32, #tpu.memory_space<vmem>> -> memref<1x128xi32, #tpu.memory_space<vmem>>
    %dma_start3A_33 = tpu.memref_squeeze %dma_start3A_32 : memref<1x128xi32, #tpu.memory_space<vmem>> -> memref<128xi32, #tpu.memory_space<vmem>>
    %dma_start3A_34 = arith.constant 0 : i32
    %dma_start3A_35 = arith.constant 0 : i32
    %dma_start3A_36 = tpu.memref_slice %arg4[%dma_start3A_34, %dma_start3A_35] : memref<1015808x16xf32, #tpu.memory_space<hbm>> -> memref<1015808x16xf32, #tpu.memory_space<hbm>>
    tpu.enqueue_indirect_dma source(%dma_start3A_36 : memref<1015808x16xf32, #tpu.memory_space<hbm>>) target(%dma_start3A_30 : memref<128x16xf32, #tpu.memory_space<vmem>>) offsets(%dma_start3A_33 : memref<128xi32, #tpu.memory_space<vmem>>) semaphore(%arg10 : memref<!tpu.dma_semaphore, #tpu.memory_space<semaphore_mem>>)
    %dma_start3A_37 = arith.constant 3 : i32
    %dma_start3A_38 = arith.constant 384 : i32
    %dma_start3A_39 = arith.constant 0 : i32
    %dma_start3A_40 = tpu.memref_slice %arg8[%dma_start3A_38, %dma_start3A_39] : memref<2048x16xf32, #tpu.memory_space<vmem>> -> memref<128x16xf32, #tpu.memory_space<vmem>>
    %dma_start3A_41 = arith.constant 0 : i32
    %dma_start3A_42 = tpu.memref_slice %arg7[%dma_start3A_37, %dma_start3A_41] : memref<16x128xi32, #tpu.memory_space<vmem>> -> memref<1x128xi32, #tpu.memory_space<vmem>>
    %dma_start3A_43 = tpu.memref_squeeze %dma_start3A_42 : memref<1x128xi32, #tpu.memory_space<vmem>> -> memref<128xi32, #tpu.memory_space<vmem>>
    %dma_start3A_44 = arith.constant 0 : i32
    %dma_start3A_45 = arith.constant 0 : i32
    %dma_start3A_46 = tpu.memref_slice %arg4[%dma_start3A_44, %dma_start3A_45] : memref<1015808x16xf32, #tpu.memory_space<hbm>> -> memref<1015808x16xf32, #tpu.memory_space<hbm>>
    tpu.enqueue_indirect_dma source(%dma_start3A_46 : memref<1015808x16xf32, #tpu.memory_space<hbm>>) target(%dma_start3A_40 : memref<128x16xf32, #tpu.memory_space<vmem>>) offsets(%dma_start3A_43 : memref<128xi32, #tpu.memory_space<vmem>>) semaphore(%arg10 : memref<!tpu.dma_semaphore, #tpu.memory_space<semaphore_mem>>)
    %dma_wait3A = arith.constant 0 : i32
    %dma_wait3A_47 = arith.constant 0 : i32
    %dma_wait3A_48 = arith.constant 0 : i32
    %dma_wait3A_49 = tpu.memref_slice %arg8[%dma_wait3A_47, %dma_wait3A_48] : memref<2048x16xf32, #tpu.memory_space<vmem>> -> memref<128x16xf32, #tpu.memory_space<vmem>>
    %dma_wait3A_50 = arith.constant 0 : i32
    %dma_wait3A_51 = tpu.memref_slice %arg7[%dma_wait3A, %dma_wait3A_50] : memref<16x128xi32, #tpu.memory_space<vmem>> -> memref<1x128xi32, #tpu.memory_space<vmem>>
    %dma_wait3A_52 = tpu.memref_squeeze %dma_wait3A_51 : memref<1x128xi32, #tpu.memory_space<vmem>> -> memref<128xi32, #tpu.memory_space<vmem>>
    %dma_wait3A_53 = arith.constant 0 : i32
    %dma_wait3A_54 = arith.constant 0 : i32
    %dma_wait3A_55 = tpu.memref_slice %arg4[%dma_wait3A_53, %dma_wait3A_54] : memref<1015808x16xf32, #tpu.memory_space<hbm>> -> memref<1015808x16xf32, #tpu.memory_space<hbm>>
    tpu.wait_indirect_dma semaphore(%arg10 : memref<!tpu.dma_semaphore, #tpu.memory_space<semaphore_mem>>) src(%dma_wait3A_55 : memref<1015808x16xf32, #tpu.memory_space<hbm>>) dst(%dma_wait3A_49 : memref<128x16xf32, #tpu.memory_space<vmem>>)
    %dma_wait3A_56 = arith.constant 1 : i32
    %dma_wait3A_57 = arith.constant 128 : i32
    %dma_wait3A_58 = arith.constant 0 : i32
    %dma_wait3A_59 = tpu.memref_slice %arg8[%dma_wait3A_57, %dma_wait3A_58] : memref<2048x16xf32, #tpu.memory_space<vmem>> -> memref<128x16xf32, #tpu.memory_space<vmem>>
    %dma_wait3A_60 = arith.constant 0 : i32
    %dma_wait3A_61 = tpu.memref_slice %arg7[%dma_wait3A_56, %dma_wait3A_60] : memref<16x128xi32, #tpu.memory_space<vmem>> -> memref<1x128xi32, #tpu.memory_space<vmem>>
    %dma_wait3A_62 = tpu.memref_squeeze %dma_wait3A_61 : memref<1x128xi32, #tpu.memory_space<vmem>> -> memref<128xi32, #tpu.memory_space<vmem>>
    %dma_wait3A_63 = arith.constant 0 : i32
    %dma_wait3A_64 = arith.constant 0 : i32
    %dma_wait3A_65 = tpu.memref_slice %arg4[%dma_wait3A_63, %dma_wait3A_64] : memref<1015808x16xf32, #tpu.memory_space<hbm>> -> memref<1015808x16xf32, #tpu.memory_space<hbm>>
    tpu.wait_indirect_dma semaphore(%arg10 : memref<!tpu.dma_semaphore, #tpu.memory_space<semaphore_mem>>) src(%dma_wait3A_65 : memref<1015808x16xf32, #tpu.memory_space<hbm>>) dst(%dma_wait3A_59 : memref<128x16xf32, #tpu.memory_space<vmem>>)
    %dma_wait3A_66 = arith.constant 2 : i32
    %dma_wait3A_67 = arith.constant 256 : i32
    %dma_wait3A_68 = arith.constant 0 : i32
    %dma_wait3A_69 = tpu.memref_slice %arg8[%dma_wait3A_67, %dma_wait3A_68] : memref<2048x16xf32, #tpu.memory_space<vmem>> -> memref<128x16xf32, #tpu.memory_space<vmem>>
    %dma_wait3A_70 = arith.constant 0 : i32
    %dma_wait3A_71 = tpu.memref_slice %arg7[%dma_wait3A_66, %dma_wait3A_70] : memref<16x128xi32, #tpu.memory_space<vmem>> -> memref<1x128xi32, #tpu.memory_space<vmem>>
    %dma_wait3A_72 = tpu.memref_squeeze %dma_wait3A_71 : memref<1x128xi32, #tpu.memory_space<vmem>> -> memref<128xi32, #tpu.memory_space<vmem>>
    %dma_wait3A_73 = arith.constant 0 : i32
    %dma_wait3A_74 = arith.constant 0 : i32
    %dma_wait3A_75 = tpu.memref_slice %arg4[%dma_wait3A_73, %dma_wait3A_74] : memref<1015808x16xf32, #tpu.memory_space<hbm>> -> memref<1015808x16xf32, #tpu.memory_space<hbm>>
    tpu.wait_indirect_dma semaphore(%arg10 : memref<!tpu.dma_semaphore, #tpu.memory_space<semaphore_mem>>) src(%dma_wait3A_75 : memref<1015808x16xf32, #tpu.memory_space<hbm>>) dst(%dma_wait3A_69 : memref<128x16xf32, #tpu.memory_space<vmem>>)
    %dma_wait3A_76 = arith.constant 3 : i32
    %dma_wait3A_77 = arith.constant 384 : i32
    %dma_wait3A_78 = arith.constant 0 : i32
    %dma_wait3A_79 = tpu.memref_slice %arg8[%dma_wait3A_77, %dma_wait3A_78] : memref<2048x16xf32, #tpu.memory_space<vmem>> -> memref<128x16xf32, #tpu.memory_space<vmem>>
    %dma_wait3A_80 = arith.constant 0 : i32
    %dma_wait3A_81 = tpu.memref_slice %arg7[%dma_wait3A_76, %dma_wait3A_80] : memref<16x128xi32, #tpu.memory_space<vmem>> -> memref<1x128xi32, #tpu.memory_space<vmem>>
    %dma_wait3A_82 = tpu.memref_squeeze %dma_wait3A_81 : memref<1x128xi32, #tpu.memory_space<vmem>> -> memref<128xi32, #tpu.memory_space<vmem>>
    %dma_wait3A_83 = arith.constant 0 : i32
    %dma_wait3A_84 = arith.constant 0 : i32
    %dma_wait3A_85 = tpu.memref_slice %arg4[%dma_wait3A_83, %dma_wait3A_84] : memref<1015808x16xf32, #tpu.memory_space<hbm>> -> memref<1015808x16xf32, #tpu.memory_space<hbm>>
    tpu.wait_indirect_dma semaphore(%arg10 : memref<!tpu.dma_semaphore, #tpu.memory_space<semaphore_mem>>) src(%dma_wait3A_85 : memref<1015808x16xf32, #tpu.memory_space<hbm>>) dst(%dma_wait3A_79 : memref<128x16xf32, #tpu.memory_space<vmem>>)
    %mul3A_86 = arith.constant 4 : i32
    %mul3A_87 = arith.muli %add3A, %mul3A_86 : i32
    %mul3A_88 = arith.constant 128 : i32
    %mul3A_89 = arith.muli %mul3A_87, %mul3A_88 : i32
    "tpu.region"() ({
      %run_scoped3A = tpu.sem_alloc : memref<!tpu.dma_semaphore, #tpu.memory_space<semaphore_mem>>
      %dma_start3A_90 = arith.constant 0 : i32
      %dma_start3A_91 = arith.constant 0 : i32
      %dma_start3A_92 = tpu.memref_slice %arg8[%dma_start3A_90, %dma_start3A_91] : memref<2048x16xf32, #tpu.memory_space<vmem>> -> memref<512x16xf32, #tpu.memory_space<vmem>>
      %dma_start3A_93 = arith.constant 0 : i32
      %dma_start3A_94 = tpu.memref_slice %arg6[%mul3A_89, %dma_start3A_93] : memref<16384x16xf32, #tpu.memory_space<hbm>> -> memref<512x16xf32, #tpu.memory_space<hbm>>
      %dma_start3A_95 = arith.constant 0 : i32
      %dma_start3A_96 = tpu.memref_slice %arg6[%mul3A_89, %dma_start3A_95] : memref<16384x16xf32, #tpu.memory_space<hbm>> -> memref<512x16xf32, #tpu.memory_space<hbm>>
      %dma_start3A_97 = arith.constant 0 : i32
      %dma_start3A_98 = arith.constant 0 : i32
      %dma_start3A_99 = tpu.memref_slice %arg8[%dma_start3A_97, %dma_start3A_98] : memref<2048x16xf32, #tpu.memory_space<vmem>> -> memref<512x16xf32, #tpu.memory_space<vmem>>
      tpu.enqueue_dma source(%dma_start3A_99 : memref<512x16xf32, #tpu.memory_space<vmem>>) target(%dma_start3A_96 : memref<512x16xf32, #tpu.memory_space<hbm>>) target_semaphore(%run_scoped3A : memref<!tpu.dma_semaphore, #tpu.memory_space<semaphore_mem>>)
      %dma_wait3A_100 = arith.constant 0 : i32
      %dma_wait3A_101 = arith.constant 0 : i32
      %dma_wait3A_102 = tpu.memref_slice %arg8[%dma_wait3A_100, %dma_wait3A_101] : memref<2048x16xf32, #tpu.memory_space<vmem>> -> memref<512x16xf32, #tpu.memory_space<vmem>>
      %dma_wait3A_103 = arith.constant 0 : i32
      %dma_wait3A_104 = tpu.memref_slice %arg6[%mul3A_89, %dma_wait3A_103] : memref<16384x16xf32, #tpu.memory_space<hbm>> -> memref<512x16xf32, #tpu.memory_space<hbm>>
      %dma_wait3A_105 = arith.constant 0 : i32
      %dma_wait3A_106 = tpu.memref_slice %arg6[%mul3A_89, %dma_wait3A_105] : memref<16384x16xf32, #tpu.memory_space<hbm>> -> memref<512x16xf32, #tpu.memory_space<hbm>>
      %dma_wait3A_107 = arith.constant 0 : i32
      %dma_wait3A_108 = arith.constant 0 : i32
      %dma_wait3A_109 = tpu.memref_slice %arg8[%dma_wait3A_107, %dma_wait3A_108] : memref<2048x16xf32, #tpu.memory_space<vmem>> -> memref<512x16xf32, #tpu.memory_space<vmem>>
      tpu.wait_dma2 semaphore(%run_scoped3A : memref<!tpu.dma_semaphore, #tpu.memory_space<semaphore_mem>>) src(%dma_wait3A_109 : memref<512x16xf32, #tpu.memory_space<vmem>>) dst(%dma_wait3A_106 : memref<512x16xf32, #tpu.memory_space<hbm>>)
      tpu.yield
    }) : () -> ()
    return
  }
}

module attributes {stable_mosaic.version = 14 : i64} {
  func.func @_repack_body(%arg0: i32, %arg1: memref<16x32768xf32, #tpu.memory_space<vmem>>, %arg2: memref<4096x128xf32, #tpu.memory_space<vmem>>) attributes {dimension_semantics = [#tpu.dimension_semantics<arbitrary>], iteration_bounds = array<i64: 31>, scalar_prefetch = 0 : i64, scratch_operands = 0 : i64, tpu.core_type = #tpu.core_type<tc>, window_params = [{transform_indices = @transform_0, window_bounds = array<i64: 16, 32768>}, {transform_indices = @transform_1, window_bounds = array<i64: 4096, 128>}]} {
    %get3A = arith.constant 0 : index
    %get3A_0 = arith.constant 0 : index
    %get3A_1 = vector.load %arg1[%get3A, %get3A_0] : memref<16x32768xf32, #tpu.memory_space<vmem>>, vector<16x32768xf32>
    %slice3A = vector.extract_strided_slice %get3A_1 {offsets = [0, 0], sizes = [16, 4096], strides = [1, 1]} : vector<16x32768xf32> to vector<16x4096xf32>
    %slice3A_2 = vector.extract_strided_slice %get3A_1 {offsets = [0, 4096], sizes = [16, 4096], strides = [1, 1]} : vector<16x32768xf32> to vector<16x4096xf32>
    %slice3A_3 = vector.extract_strided_slice %get3A_1 {offsets = [0, 8192], sizes = [16, 4096], strides = [1, 1]} : vector<16x32768xf32> to vector<16x4096xf32>
    %slice3A_4 = vector.extract_strided_slice %get3A_1 {offsets = [0, 12288], sizes = [16, 4096], strides = [1, 1]} : vector<16x32768xf32> to vector<16x4096xf32>
    %slice3A_5 = vector.extract_strided_slice %get3A_1 {offsets = [0, 16384], sizes = [16, 4096], strides = [1, 1]} : vector<16x32768xf32> to vector<16x4096xf32>
    %slice3A_6 = vector.extract_strided_slice %get3A_1 {offsets = [0, 20480], sizes = [16, 4096], strides = [1, 1]} : vector<16x32768xf32> to vector<16x4096xf32>
    %slice3A_7 = vector.extract_strided_slice %get3A_1 {offsets = [0, 24576], sizes = [16, 4096], strides = [1, 1]} : vector<16x32768xf32> to vector<16x4096xf32>
    %slice3A_8 = vector.extract_strided_slice %get3A_1 {offsets = [0, 28672], sizes = [16, 4096], strides = [1, 1]} : vector<16x32768xf32> to vector<16x4096xf32>
    %concatenate3A = tpu.concatenate %slice3A, %slice3A_2, %slice3A_3, %slice3A_4, %slice3A_5, %slice3A_6, %slice3A_7, %slice3A_8 in 0 : vector<16x4096xf32>, vector<16x4096xf32>, vector<16x4096xf32>, vector<16x4096xf32>, vector<16x4096xf32>, vector<16x4096xf32>, vector<16x4096xf32>, vector<16x4096xf32> -> vector<128x4096xf32>
    %transpose3A = tpu.transpose %concatenate3A, [1, 0] : vector<128x4096xf32> -> vector<4096x128xf32>
    %swap3A = arith.constant 0 : index
    %swap3A_9 = arith.constant 0 : index
    %swap3A_10 = vector.load %arg2[%swap3A, %swap3A_9] : memref<4096x128xf32, #tpu.memory_space<vmem>>, vector<4096x128xf32>
    tpu.vector_store %arg2[%swap3A, %swap3A_9], %transpose3A {strides = array<i32>} : memref<4096x128xf32, #tpu.memory_space<vmem>>, vector<4096x128xf32>,
    return
  }
  func.func @transform_0(%arg0: i32) -> (i32, i32) {
    %c0_i32 = arith.constant 0 : i32
    %c0_i32_0 = arith.constant 0 : i32
    return %c0_i32, %arg0 : i32, i32
  }
  func.func @transform_1(%arg0: i32) -> (i32, i32) {
    %c0_i32 = arith.constant 0 : i32
    %c0_i32_0 = arith.constant 0 : i32
    return %arg0, %c0_i32 : i32, i32
  }
}

module attributes {stable_mosaic.version = 14 : i64} {
  func.func @_tc_body(%arg0: i32, %arg1: memref<512x256xf32, #tpu.memory_space<vmem>>, %arg2: memref<64x128xf32, #tpu.memory_space<vmem>>, %arg3: memref<128x16xf32, #tpu.memory_space<vmem>>, %arg4: memref<256x256xf32, #tpu.memory_space<vmem>>, %arg5: memref<64x1024xf32, #tpu.memory_space<vmem>>, %arg6: memref<1x256xf32, #tpu.memory_space<vmem>>, %arg7: memref<256x256xf32, #tpu.memory_space<vmem>>, %arg8: memref<1x256xf32, #tpu.memory_space<vmem>>, %arg9: memref<256x256xf32, #tpu.memory_space<vmem>>, %arg10: memref<16x16xf32, #tpu.memory_space<vmem>>, %arg11: memref<1x256xf32, #tpu.memory_space<vmem>>, %arg12: memref<256x256xf32, #tpu.memory_space<vmem>>, %arg13: memref<1x256xf32, #tpu.memory_space<vmem>>, %arg14: memref<256x16xf32, #tpu.memory_space<vmem>>, %arg15: memref<1x1xf32, #tpu.memory_space<vmem>>, %arg16: memref<16x256xf32, #tpu.memory_space<vmem>>, %arg17: memref<16x256xf32, #tpu.memory_space<vmem>>, %arg18: memref<256x16xf32, #tpu.memory_space<vmem>>, %arg19: memref<128x16xf32, #tpu.memory_space<vmem>>) attributes {dimension_semantics = [#tpu.dimension_semantics<arbitrary>], iteration_bounds = array<i64: 128>, scalar_prefetch = 0 : i64, scratch_operands = 0 : i64, tpu.core_type = #tpu.core_type<tc>, window_params = [{transform_indices = @transform_0, window_bounds = array<i64: 512, 256>}, {transform_indices = @transform_1, window_bounds = array<i64: 64, 128>}, {transform_indices = @transform_2, window_bounds = array<i64: 128, 16>}, {pipeline_mode = #tpu.pipeline_mode<synchronous>, transform_indices = @transform_3, window_bounds = array<i64: 256, 256>}, {pipeline_mode = #tpu.pipeline_mode<synchronous>, transform_indices = @transform_4, window_bounds = array<i64: 64, 1024>}, {pipeline_mode = #tpu.pipeline_mode<synchronous>, transform_indices = @transform_5, window_bounds = array<i64: 1, 256>}, {pipeline_mode = #tpu.pipeline_mode<synchronous>, transform_indices = @transform_6, window_bounds = array<i64: 256, 256>}, {pipeline_mode = #tpu.pipeline_mode<synchronous>, transform_indices = @transform_7, window_bounds = array<i64: 1, 256>}, {pipeline_mode = #tpu.pipeline_mode<synchronous>, transform_indices = @transform_8, window_bounds = array<i64: 256, 256>}, {pipeline_mode = #tpu.pipeline_mode<synchronous>, transform_indices = @transform_9, window_bounds = array<i64: 16, 16>}, {pipeline_mode = #tpu.pipeline_mode<synchronous>, transform_indices = @transform_10, window_bounds = array<i64: 1, 256>}, {pipeline_mode = #tpu.pipeline_mode<synchronous>, transform_indices = @transform_11, window_bounds = array<i64: 256, 256>}, {pipeline_mode = #tpu.pipeline_mode<synchronous>, transform_indices = @transform_12, window_bounds = array<i64: 1, 256>}, {pipeline_mode = #tpu.pipeline_mode<synchronous>, transform_indices = @transform_13, window_bounds = array<i64: 256, 16>}, {pipeline_mode = #tpu.pipeline_mode<synchronous>, transform_indices = @transform_14, window_bounds = array<i64: 1, 1>}, {pipeline_mode = #tpu.pipeline_mode<synchronous>, transform_indices = @transform_15, window_bounds = array<i64: 16, 256>}, {pipeline_mode = #tpu.pipeline_mode<synchronous>, transform_indices = @transform_16, window_bounds = array<i64: 16, 256>}, {pipeline_mode = #tpu.pipeline_mode<synchronous>, transform_indices = @transform_17, window_bounds = array<i64: 256, 16>}, {transform_indices = @transform_18, window_bounds = array<i64: 128, 16>}]} {
    %get3A = arith.constant 0 : index
    %get3A_0 = arith.constant 0 : index
    %get3A_1 = vector.load %arg1[%get3A, %get3A_0] : memref<512x256xf32, #tpu.memory_space<vmem>>, vector<512x256xf32>
    %get3A_2 = arith.constant 0 : index
    %get3A_3 = arith.constant 0 : index
    %get3A_4 = vector.load %arg2[%get3A_2, %get3A_3] : memref<64x128xf32, #tpu.memory_space<vmem>>, vector<64x128xf32>
    %get3A_5 = arith.constant 0 : index
    %get3A_6 = arith.constant 0 : index
    %get3A_7 = vector.load %arg5[%get3A_5, %get3A_6] : memref<64x1024xf32, #tpu.memory_space<vmem>>, vector<64x1024xf32>
    %dot_general3A = arith.constant dense<0.000000e+00> : vector<128x1024xf32>
    %dot_general3A_8 = tpu.matmul %get3A_4, %get3A_7, %dot_general3A {dimension_numbers = #tpu.dot_dimension_numbers<[0], [0], [1], [1], [0, 1, 1, 1], [], []>, transpose_lhs_hint = false} : vector<64x128xf32>, vector<64x1024xf32>, vector<128x1024xf32> -> vector<128x1024xf32>
    %reshape3A = vector.shape_cast %dot_general3A_8 : vector<128x1024xf32> to vector<512x256xf32>
    %get3A_9 = arith.constant 0 : index
    %get3A_10 = arith.constant 0 : index
    %get3A_11 = vector.load %arg4[%get3A_9, %get3A_10] : memref<256x256xf32, #tpu.memory_space<vmem>>, vector<256x256xf32>
    %dot_general3A_12 = arith.constant dense<0.000000e+00> : vector<512x256xf32>
    %dot_general3A_13 = tpu.matmul %get3A_1, %get3A_11, %dot_general3A_12 {dimension_numbers = #tpu.dot_dimension_numbers<[1], [0], [0], [1], [0, 0, 1, 1], [], []>, transpose_lhs_hint = false} : vector<512x256xf32>, vector<256x256xf32>, vector<512x256xf32> -> vector<512x256xf32>
    %add3A = arith.addf %dot_general3A_13, %reshape3A : vector<512x256xf32>
    %get3A_14 = arith.constant 0 : index
    %get3A_15 = arith.constant 0 : index
    %get3A_16 = vector.load %arg6[%get3A_14, %get3A_15] : memref<1x256xf32, #tpu.memory_space<vmem>>, vector<1x256xf32>
    %add3A_17 = vector.broadcast %get3A_16 : vector<1x256xf32> to vector<512x256xf32>
    %add3A_18 = arith.addf %add3A, %add3A_17 : vector<512x256xf32>
    %max3A = arith.constant 0.000000e+00 : f32
    %max3A_19 = vector.broadcast %max3A : f32 to vector<512x256xf32>
    %max3A_20 = arith.maximumf %add3A_18, %max3A_19 : vector<512x256xf32>
    %get3A_21 = arith.constant 0 : index
    %get3A_22 = arith.constant 0 : index
    %get3A_23 = vector.load %arg7[%get3A_21, %get3A_22] : memref<256x256xf32, #tpu.memory_space<vmem>>, vector<256x256xf32>
    %dot_general3A_24 = arith.constant dense<0.000000e+00> : vector<512x256xf32>
    %dot_general3A_25 = tpu.matmul %max3A_20, %get3A_23, %dot_general3A_24 {dimension_numbers = #tpu.dot_dimension_numbers<[1], [0], [0], [1], [0, 0, 1, 1], [], []>, transpose_lhs_hint = false} : vector<512x256xf32>, vector<256x256xf32>, vector<512x256xf32> -> vector<512x256xf32>
    %get3A_26 = arith.constant 0 : index
    %get3A_27 = arith.constant 0 : index
    %get3A_28 = vector.load %arg8[%get3A_26, %get3A_27] : memref<1x256xf32, #tpu.memory_space<vmem>>, vector<1x256xf32>
    %add3A_29 = vector.broadcast %get3A_28 : vector<1x256xf32> to vector<512x256xf32>
    %add3A_30 = arith.addf %dot_general3A_25, %add3A_29 : vector<512x256xf32>
    %max3A_31 = arith.constant 0.000000e+00 : f32
    %max3A_32 = vector.broadcast %max3A_31 : f32 to vector<512x256xf32>
    %max3A_33 = arith.maximumf %add3A_30, %max3A_32 : vector<512x256xf32>
    %get3A_34 = arith.constant 0 : index
    %get3A_35 = arith.constant 0 : index
    %get3A_36 = vector.load %arg3[%get3A_34, %get3A_35] : memref<128x16xf32, #tpu.memory_space<vmem>>, vector<128x16xf32>
    %get3A_37 = arith.constant 0 : index
    %get3A_38 = arith.constant 0 : index
    %get3A_39 = vector.load %arg10[%get3A_37, %get3A_38] : memref<16x16xf32, #tpu.memory_space<vmem>>, vector<16x16xf32>
    %dot_general3A_40 = arith.constant dense<0.000000e+00> : vector<128x16xf32>
    %dot_general3A_41 = tpu.matmul %get3A_36, %get3A_39, %dot_general3A_40 {dimension_numbers = #tpu.dot_dimension_numbers<[1], [0], [0], [1], [0, 0, 1, 1], [], []>, transpose_lhs_hint = false} : vector<128x16xf32>, vector<16x16xf32>, vector<128x16xf32> -> vector<128x16xf32>
    %get3A_42 = arith.constant 0 : index
    %get3A_43 = arith.constant 0 : index
    %get3A_44 = vector.load %arg16[%get3A_42, %get3A_43] : memref<16x256xf32, #tpu.memory_space<vmem>>, vector<16x256xf32>
    %dot_general3A_45 = arith.constant dense<0.000000e+00> : vector<128x256xf32>
    %dot_general3A_46 = tpu.matmul %dot_general3A_41, %get3A_44, %dot_general3A_45 {dimension_numbers = #tpu.dot_dimension_numbers<[1], [0], [0], [1], [0, 0, 1, 1], [], []>, transpose_lhs_hint = false} : vector<128x16xf32>, vector<16x256xf32>, vector<128x256xf32> -> vector<128x256xf32>
    %broadcast_in_dim3A = vector.shape_cast %dot_general3A_46 : vector<128x256xf32> to vector<128x1x256xf32>
    %broadcast_in_dim3A_47 = vector.shape_cast %broadcast_in_dim3A : vector<128x1x256xf32> to vector<128x1x256xf32>
    %broadcast_in_dim3A_48 = vector.broadcast %broadcast_in_dim3A_47 : vector<128x1x256xf32> to vector<128x4x256xf32>
    %reshape3A_49 = vector.shape_cast %broadcast_in_dim3A_48 : vector<128x4x256xf32> to vector<512x256xf32>
    %get3A_50 = arith.constant 0 : index
    %get3A_51 = arith.constant 0 : index
    %get3A_52 = vector.load %arg9[%get3A_50, %get3A_51] : memref<256x256xf32, #tpu.memory_space<vmem>>, vector<256x256xf32>
    %dot_general3A_53 = arith.constant dense<0.000000e+00> : vector<512x256xf32>
    %dot_general3A_54 = tpu.matmul %max3A_33, %get3A_52, %dot_general3A_53 {dimension_numbers = #tpu.dot_dimension_numbers<[1], [0], [0], [1], [0, 0, 1, 1], [], []>, transpose_lhs_hint = false} : vector<512x256xf32>, vector<256x256xf32>, vector<512x256xf32> -> vector<512x256xf32>
    %add3A_55 = arith.addf %dot_general3A_54, %reshape3A_49 : vector<512x256xf32>
    %get3A_56 = arith.constant 0 : index
    %get3A_57 = arith.constant 0 : index
    %get3A_58 = vector.load %arg11[%get3A_56, %get3A_57] : memref<1x256xf32, #tpu.memory_space<vmem>>, vector<1x256xf32>
    %add3A_59 = vector.broadcast %get3A_58 : vector<1x256xf32> to vector<512x256xf32>
    %add3A_60 = arith.addf %add3A_55, %add3A_59 : vector<512x256xf32>
    %max3A_61 = arith.constant 0.000000e+00 : f32
    %max3A_62 = vector.broadcast %max3A_61 : f32 to vector<512x256xf32>
    %max3A_63 = arith.maximumf %add3A_60, %max3A_62 : vector<512x256xf32>
    %get3A_64 = arith.constant 0 : index
    %get3A_65 = arith.constant 0 : index
    %get3A_66 = vector.load %arg12[%get3A_64, %get3A_65] : memref<256x256xf32, #tpu.memory_space<vmem>>, vector<256x256xf32>
    %dot_general3A_67 = arith.constant dense<0.000000e+00> : vector<512x256xf32>
    %dot_general3A_68 = tpu.matmul %max3A_63, %get3A_66, %dot_general3A_67 {dimension_numbers = #tpu.dot_dimension_numbers<[1], [0], [0], [1], [0, 0, 1, 1], [], []>, transpose_lhs_hint = false} : vector<512x256xf32>, vector<256x256xf32>, vector<512x256xf32> -> vector<512x256xf32>
    %get3A_69 = arith.constant 0 : index
    %get3A_70 = arith.constant 0 : index
    %get3A_71 = vector.load %arg13[%get3A_69, %get3A_70] : memref<1x256xf32, #tpu.memory_space<vmem>>, vector<1x256xf32>
    %add3A_72 = vector.broadcast %get3A_71 : vector<1x256xf32> to vector<512x256xf32>
    %add3A_73 = arith.addf %dot_general3A_68, %add3A_72 : vector<512x256xf32>
    %max3A_74 = arith.constant 0.000000e+00 : f32
    %max3A_75 = vector.broadcast %max3A_74 : f32 to vector<512x256xf32>
    %max3A_76 = arith.maximumf %add3A_73, %max3A_75 : vector<512x256xf32>
    %get3A_77 = arith.constant 0 : index
    %get3A_78 = arith.constant 0 : index
    %get3A_79 = vector.load %arg14[%get3A_77, %get3A_78] : memref<256x16xf32, #tpu.memory_space<vmem>>, vector<256x16xf32>
    %dot_general3A_80 = arith.constant dense<0.000000e+00> : vector<512x16xf32>
    %dot_general3A_81 = tpu.matmul %max3A_76, %get3A_79, %dot_general3A_80 {dimension_numbers = #tpu.dot_dimension_numbers<[1], [0], [0], [1], [0, 0, 1, 1], [], []>, transpose_lhs_hint = false} : vector<512x256xf32>, vector<256x16xf32>, vector<512x16xf32> -> vector<512x16xf32>
    %get3A_82 = arith.constant 0 : index
    %get3A_83 = arith.constant 0 : index
    %get3A_84 = vector.load %arg15[%get3A_82, %get3A_83] : memref<1x1xf32, #tpu.memory_space<vmem>>, vector<1x1xf32>
    %get3A_85 = vector.extract %get3A_84[0, 0] : f32 from vector<1x1xf32>
    %add3A_86 = vector.broadcast %get3A_85 : f32 to vector<512x16xf32>
    %add3A_87 = arith.addf %dot_general3A_81, %add3A_86 : vector<512x16xf32>
    %reshape3A_88 = vector.shape_cast %add3A_87 : vector<512x16xf32> to vector<128x4x16xf32>
    %reduce_max3A = arith.constant dense<0xFF800000> : vector<128x4xf32>
    %reduce_max3A_89 = vector.multi_reduction <maximumf>, %reshape3A_88, %reduce_max3A [2] : vector<128x4x16xf32> to vector<128x4xf32>
    %broadcast_in_dim3A_90 = vector.shape_cast %reduce_max3A_89 : vector<128x4xf32> to vector<128x4x1xf32>
    %reduce_max3A_91 = arith.constant dense<0xFF800000> : vector<128x1xf32>
    %reduce_max3A_92 = vector.multi_reduction <maximumf>, %broadcast_in_dim3A_90, %reduce_max3A_91 [1] : vector<128x4x1xf32> to vector<128x1xf32>
    %broadcast_in_dim3A_93 = vector.shape_cast %reduce_max3A_92 : vector<128x1xf32> to vector<128x1x1xf32>
    %sub3A = vector.broadcast %broadcast_in_dim3A_93 : vector<128x1x1xf32> to vector<128x4x16xf32>
    %sub3A_94 = arith.subf %reshape3A_88, %sub3A : vector<128x4x16xf32>
    %exp3A = math.exp %sub3A_94 : vector<128x4x16xf32>
    %reduce_sum3A = arith.constant dense<0.000000e+00> : vector<128x4xf32>
    %reduce_sum3A_95 = vector.multi_reduction <add>, %exp3A, %reduce_sum3A [2] : vector<128x4x16xf32> to vector<128x4xf32>
    %broadcast_in_dim3A_96 = vector.shape_cast %reduce_sum3A_95 : vector<128x4xf32> to vector<128x4x1xf32>
    %reduce_sum3A_97 = arith.constant dense<0.000000e+00> : vector<128x1xf32>
    %reduce_sum3A_98 = vector.multi_reduction <add>, %broadcast_in_dim3A_96, %reduce_sum3A_97 [1] : vector<128x4x1xf32> to vector<128x1xf32>
    %reshape3A_99 = vector.shape_cast %exp3A : vector<128x4x16xf32> to vector<512x16xf32>
    %get3A_100 = arith.constant 0 : index
    %get3A_101 = arith.constant 0 : index
    %get3A_102 = vector.load %arg17[%get3A_100, %get3A_101] : memref<16x256xf32, #tpu.memory_space<vmem>>, vector<16x256xf32>
    %dot_general3A_103 = arith.constant dense<0.000000e+00> : vector<512x256xf32>
    %dot_general3A_104 = tpu.matmul %reshape3A_99, %get3A_102, %dot_general3A_103 {dimension_numbers = #tpu.dot_dimension_numbers<[1], [0], [0], [1], [0, 0, 1, 1], [], []>, transpose_lhs_hint = false} : vector<512x16xf32>, vector<16x256xf32>, vector<512x256xf32> -> vector<512x256xf32>
    %mul3A = arith.mulf %max3A_33, %dot_general3A_104 : vector<512x256xf32>
    %get3A_105 = arith.constant 0 : index
    %get3A_106 = arith.constant 0 : index
    %get3A_107 = vector.load %arg18[%get3A_105, %get3A_106] : memref<256x16xf32, #tpu.memory_space<vmem>>, vector<256x16xf32>
    %dot_general3A_108 = arith.constant dense<0.000000e+00> : vector<512x16xf32>
    %dot_general3A_109 = tpu.matmul %mul3A, %get3A_107, %dot_general3A_108 {dimension_numbers = #tpu.dot_dimension_numbers<[1], [0], [0], [1], [0, 0, 1, 1], [], []>, transpose_lhs_hint = false} : vector<512x256xf32>, vector<256x16xf32>, vector<512x16xf32> -> vector<512x16xf32>
    %reshape3A_110 = vector.shape_cast %dot_general3A_109 : vector<512x16xf32> to vector<128x4x16xf32>
    %reduce_sum3A_111 = arith.constant dense<0.000000e+00> : vector<128x16xf32>
    %reduce_sum3A_112 = vector.multi_reduction <add>, %reshape3A_110, %reduce_sum3A_111 [1] : vector<128x4x16xf32> to vector<128x16xf32>
    %div3A = vector.broadcast %reduce_sum3A_98 : vector<128x1xf32> to vector<128x16xf32>
    %div3A_113 = arith.divf %reduce_sum3A_112, %div3A : vector<128x16xf32>
    %swap3A = arith.constant 0 : index
    %swap3A_114 = arith.constant 0 : index
    %swap3A_115 = vector.load %arg19[%swap3A, %swap3A_114] : memref<128x16xf32, #tpu.memory_space<vmem>>, vector<128x16xf32>
    tpu.vector_store %arg19[%swap3A, %swap3A_114], %div3A_113 {strides = array<i32>} : memref<128x16xf32, #tpu.memory_space<vmem>>, vector<128x16xf32>,
    return
  }
  func.func @transform_0(%arg0: i32) -> (i32, i32) {
    %c0_i32 = arith.constant 0 : i32
    %c0_i32_0 = arith.constant 0 : i32
    return %arg0, %c0_i32 : i32, i32
  }
  func.func @transform_1(%arg0: i32) -> (i32, i32) {
    %c0_i32 = arith.constant 0 : i32
    %c0_i32_0 = arith.constant 0 : i32
    return %c0_i32, %arg0 : i32, i32
  }
  func.func @transform_2(%arg0: i32) -> (i32, i32) {
    %c0_i32 = arith.constant 0 : i32
    %c0_i32_0 = arith.constant 0 : i32
    return %arg0, %c0_i32 : i32, i32
  }
  func.func @transform_3(%arg0: i32) -> (i32, i32) {
    %c0_i32 = arith.constant 0 : i32
    %c0_i32_0 = arith.constant 0 : i32
    %c0_i32_1 = arith.constant 0 : i32
    return %c0_i32, %c0_i32_0 : i32, i32
  }
  func.func @transform_4(%arg0: i32) -> (i32, i32) {
    %c0_i32 = arith.constant 0 : i32
    %c0_i32_0 = arith.constant 0 : i32
    %c0_i32_1 = arith.constant 0 : i32
    return %c0_i32, %c0_i32_0 : i32, i32
  }
  func.func @transform_5(%arg0: i32) -> (i32, i32) {
    %c0_i32 = arith.constant 0 : i32
    %c0_i32_0 = arith.constant 0 : i32
    %c0_i32_1 = arith.constant 0 : i32
    return %c0_i32, %c0_i32_0 : i32, i32
  }
  func.func @transform_6(%arg0: i32) -> (i32, i32) {
    %c0_i32 = arith.constant 0 : i32
    %c0_i32_0 = arith.constant 0 : i32
    %c0_i32_1 = arith.constant 0 : i32
    return %c0_i32, %c0_i32_0 : i32, i32
  }
  func.func @transform_7(%arg0: i32) -> (i32, i32) {
    %c0_i32 = arith.constant 0 : i32
    %c0_i32_0 = arith.constant 0 : i32
    %c0_i32_1 = arith.constant 0 : i32
    return %c0_i32, %c0_i32_0 : i32, i32
  }
  func.func @transform_8(%arg0: i32) -> (i32, i32) {
    %c0_i32 = arith.constant 0 : i32
    %c0_i32_0 = arith.constant 0 : i32
    %c0_i32_1 = arith.constant 0 : i32
    return %c0_i32, %c0_i32_0 : i32, i32
  }
  func.func @transform_9(%arg0: i32) -> (i32, i32) {
    %c0_i32 = arith.constant 0 : i32
    %c0_i32_0 = arith.constant 0 : i32
    %c0_i32_1 = arith.constant 0 : i32
    return %c0_i32, %c0_i32_0 : i32, i32
  }
  func.func @transform_10(%arg0: i32) -> (i32, i32) {
    %c0_i32 = arith.constant 0 : i32
    %c0_i32_0 = arith.constant 0 : i32
    %c0_i32_1 = arith.constant 0 : i32
    return %c0_i32, %c0_i32_0 : i32, i32
  }
  func.func @transform_11(%arg0: i32) -> (i32, i32) {
    %c0_i32 = arith.constant 0 : i32
    %c0_i32_0 = arith.constant 0 : i32
    %c0_i32_1 = arith.constant 0 : i32
    return %c0_i32, %c0_i32_0 : i32, i32
  }
  func.func @transform_12(%arg0: i32) -> (i32, i32) {
    %c0_i32 = arith.constant 0 : i32
    %c0_i32_0 = arith.constant 0 : i32
    %c0_i32_1 = arith.constant 0 : i32
    return %c0_i32, %c0_i32_0 : i32, i32
  }
  func.func @transform_13(%arg0: i32) -> (i32, i32) {
    %c0_i32 = arith.constant 0 : i32
    %c0_i32_0 = arith.constant 0 : i32
    %c0_i32_1 = arith.constant 0 : i32
    return %c0_i32, %c0_i32_0 : i32, i32
  }
  func.func @transform_14(%arg0: i32) -> (i32, i32) {
    %c0_i32 = arith.constant 0 : i32
    %c0_i32_0 = arith.constant 0 : i32
    %c0_i32_1 = arith.constant 0 : i32
    return %c0_i32, %c0_i32_0 : i32, i32
  }
  func.func @transform_15(%arg0: i32) -> (i32, i32) {
    %c0_i32 = arith.constant 0 : i32
    %c0_i32_0 = arith.constant 0 : i32
    %c0_i32_1 = arith.constant 0 : i32
    return %c0_i32, %c0_i32_0 : i32, i32
  }
  func.func @transform_16(%arg0: i32) -> (i32, i32) {
    %c0_i32 = arith.constant 0 : i32
    %c0_i32_0 = arith.constant 0 : i32
    %c0_i32_1 = arith.constant 0 : i32
    return %c0_i32, %c0_i32_0 : i32, i32
  }
  func.func @transform_17(%arg0: i32) -> (i32, i32) {
    %c0_i32 = arith.constant 0 : i32
    %c0_i32_0 = arith.constant 0 : i32
    %c0_i32_1 = arith.constant 0 : i32
    return %c0_i32, %c0_i32_0 : i32, i32
  }
  func.func @transform_18(%arg0: i32) -> (i32, i32) {
    %c0_i32 = arith.constant 0 : i32
    %c0_i32_0 = arith.constant 0 : i32
    return %arg0, %c0_i32 : i32, i32
  }
}

</mosaic_0001>

<sc_bundles>
// kernel: kernel.5.cloned.1.call-start
scs
__scs_entry_jumppad:
0x0: {  	(pc) =	sbr.rel $0x88, $3  }
0x1: {  	(tag) =	ssettag $0x0;
	lr =	simm.s32 $0x1  }
0x2: {  	[smem:$0x3F93] =	sst lr;
	_ =	strace $0xD0000000  }
0x3: {  	_ = 	snop  }
0x4: {  	_ = 	snop  }
0x5: {  	_ = 	snop  }
0x6: {  	_ = 	snop  }
0x7: {  	_ = 	snop  }
__scs_overlays_trampoline_lowered:
0x8: {  	[smem:$0x3FA2] =	sst s0  }
0x9: {  	[smem:$0x3FA3] =	sst s1  }
0xa: {  	[smem:$0x3FA4] =	sst s2  }
0xb: {  	[smem:$0x3FA5] =	sst s3  }
0xc: {  	[smem:$0x3FA6] =	sst s4  }
0xd: {  	[smem:$0x3FA7] =	sst s5  }
0xe: {  	[smem:$0x3FA8] =	sst s6  }
0xf: {  	[smem:$0x3FA9] =	sst s7  }
0x10: {  	[smem:$0x3FAA] =	sst s8  }
0x11: {  	[smem:$0x3FAB] =	sst s9;
	s0 =	simm.s32 @!p0 $0x0  }
0x12: {  	s1 =	sld [smem:$0x3F91];
	s0 =	simm.s32 @p0 $0x1  }
0x13: {  	[smem:$0x3FAC] =	sst s0;
	s0 =	simm.s32 @!p1 $0x0  }
0x14: {  	s2 =	sld [smem:$0x3F90];
	s0 =	simm.s32 @p1 $0x1  }
0x15: {  	[smem:$0x3FAD] =	sst s0;
	s0 =	simm.s32 @!p2 $0x0  }
0x16: {  	s3 =	sld [smem:$0x3FDB];
	s0 =	simm.s32 @p2 $0x1  }
0x17: {  	s4 =	simm.s32 $0x1BF5;
	[smem:$0x3FAF] =	sst s0  }
0x18: {  	s0 =	sld [smem:$0x3F92];
	_ =	swait.ge [sflag:s4], $0x0  }
0x19: {  	s7 =	sld [smem:$0x3F93]  }
0x1a: {  	s8 =	sadd.s32 $0xFFFFE003, lr  }
0x1b: {  	s9 =	sadd.s32 $0xFFFFFEF7, lr;
	s5 =	simm.s32 $0xFFFFFFFF;
	p2 =	slt.u32 s8, $0xFFFFF086  }
0x1c: {  	p1 =	slt.u32 s9, $0xF7A;
	s5 =	simm.s32 @!p2 $0x0  }
0x1d: {  	s5 =	simm.s32 @p1 $0x1;
	p0 =	seq.s32 s7, s2  }
0x1e: {  	s7 =	smul.u32 @!p0 $0xF7A, s2;
	p2 =	seq.s32 @!p0 s5, $0x0  }
0x1f: {  	s9 =	smul.u32 $0xF7A, s1;
	s8 =	simm.s32 @!p0 $0x1BF5;
	p2 =	por !p2, p0  }
0x20: {  	[sflag:s8] =	ssyncset.s32 @!p0 $0xFFFFF086;
	s6 =	sadd.s32 @!p0 s3, s7;
	s7 =	simm.s32 @!p0 $0x108  }
0x21: {  	s3 =	sadd.s32 s3, s9;
	s6 =	sadd.s32 @!p0 $0x88, s6;
	s7 =	simm.s32 @p2 $0x1082  }
0x22: {  	[simem:s7], [sflag:s8] =	dma.local @!p0 [hbm:s6], $0xF7A  }
0x23: {  	s9 =	sor.u32 $0xD0000000, s2;
	s6 =	simm.s32 $0x108;
	_ =	swait.ge @!p0 [sflag:s8], $0x0  }
0x24: {  	s3 =	sadd.s32 $0x88, s3;
	s6 =	simm.s32 @!p1 $0x1082;
	[sflag:s4] =	ssyncset.s32 $0xFFFFF086  }
0x25: {  	[simem:s6], [sflag:s4] =	dma.local [hbm:s3], $0xF7A  }
0x26: {  	[smem:$0x3F93] =	sst s1;
	(tag) =	ssettag s2;
	_ =	strace s9  }
0x27: {  	s1 =	sld [smem:$0x3FA3]  }
0x28: {  	s2 =	sld [smem:$0x3FA4]  }
0x29: {  	s4 =	sld [smem:$0x3FA6]  }
0x2a: {  	p0 =	seq.s32 s5, $0x0;
	s5 =	sld [smem:$0x3FA7]  }
0x2b: {  	s6 =	sld [smem:$0x3FA8]  }
0x2c: {  	s7 =	sld [smem:$0x3FA9]  }
0x2d: {  	s3 =	simm.s32 $0x108;
	s8 =	sld [smem:$0x3FAA]  }
0x2e: {  	s3 =	simm.s32 @!p0 $0x1082;
	s9 =	sld [smem:$0x3FAB]  }
0x2f: {  	lr =	sadd.s32 s0, s3;
	s0 =	sld [smem:$0x3FA2]  }
0x30: {  	s3 =	sld [smem:$0x3FA5]  }
0x31: {  	[smem:$0x3FAE] =	sst s10  }
0x32: {  	s10 =	sld [smem:$0x3FAC];
	_ =	sdelay $0x3  }
0x33: {  	p0 =	seq.s32 s10, $0x1;
	s10 =	sld [smem:$0x3FAE];
	_ =	sdelay $0x3  }
0x34: {  	[smem:$0x3FAE] =	sst s10  }
0x35: {  	s10 =	sld [smem:$0x3FAD];
	_ =	sdelay $0x3  }
0x36: {  	p1 =	seq.s32 s10, $0x1;
	s10 =	sld [smem:$0x3FAE];
	_ =	sdelay $0x3  }
0x37: {  	[smem:$0x3FAE] =	sst s10  }
0x38: {  	s10 =	sld [smem:$0x3FAF]  }
0x39: {  	_ = 	snop;
	(pc) =	sbr.ind lr, $3  }
0x3a: {  	_ = 	snop  }
0x3b: {  	_ = 	snop  }
0x3c: {  	p2 =	seq.s32 s10, $0x1;
	s10 =	sld [smem:$0x3FAE]  }
0x3d: {  	_ =	shalt  }
0x3e: {  	_ =	shalt  }
0x3f: {  	_ =	shalt  }
0x40: {  	_ =	shalt  }
0x41: {  	_ =	shalt  }
0x42: {  	_ =	shalt  }
0x43: {  	_ =	shalt  }
0x44: {  	_ =	shalt  }
0x45: {  	_ =	shalt  }
0x46: {  	_ =	shalt  }
0x47: {  	_ =	shalt  }
0x48: {  	_ =	shalt  }
0x49: {  	_ =	shalt  }
0x4a: {  	_ =	shalt  }
0x4b: {  	_ =	shalt  }
0x4c: {  	_ =	shalt  }
0x4d: {  	_ =	shalt  }
0x4e: {  	_ =	shalt  }
0x4f: {  	_ =	shalt  }
0x50: {  	_ =	shalt  }
0x51: {  	_ =	shalt  }
0x52: {  	_ =	shalt  }
0x53: {  	_ =	shalt  }
0x54: {  	_ =	shalt  }
0x55: {  	_ =	shalt  }
0x56: {  	_ =	shalt  }
0x57: {  	_ =	shalt  }
0x58: {  	_ =	shalt  }
0x59: {  	_ =	shalt  }
0x5a: {  	_ =	shalt  }
0x5b: {  	_ =	shalt  }
0x5c: {  	_ =	shalt  }
0x5d: {  	_ =	shalt  }
0x5e: {  	_ =	shalt  }
0x5f: {  	_ =	shalt  }
0x60: {  	_ =	shalt  }
0x61: {  	_ =	shalt  }
0x62: {  	_ =	shalt  }
0x63: {  	_ =	shalt  }
0x64: {  	_ =	shalt  }
0x65: {  	_ =	shalt  }
0x66: {  	_ =	shalt  }
0x67: {  	_ =	shalt  }
0x68: {  	_ =	shalt  }
0x69: {  	_ =	shalt  }
0x6a: {  	_ =	shalt  }
0x6b: {  	_ =	shalt  }
0x6c: {  	_ =	shalt  }
0x6d: {  	_ =	shalt  }
0x6e: {  	_ =	shalt  }
0x6f: {  	_ =	shalt  }
0x70: {  	_ =	shalt  }
0x71: {  	_ =	shalt  }
0x72: {  	_ =	shalt  }
0x73: {  	_ =	shalt  }
0x74: {  	_ =	shalt  }
0x75: {  	_ =	shalt  }
0x76: {  	_ =	shalt  }
0x77: {  	_ =	shalt  }
0x78: {  	_ =	shalt  }
0x79: {  	_ =	shalt  }
0x7a: {  	_ =	shalt  }
0x7b: {  	_ =	shalt  }
0x7c: {  	_ =	shalt  }
0x7d: {  	_ =	shalt  }
0x7e: {  	_ =	shalt  }
0x7f: {  	_ =	shalt  }
0x80: {  	_ =	shalt  }
0x81: {  	_ =	shalt  }
0x82: {  	_ =	shalt  }
0x83: {  	_ =	shalt  }
0x84: {  	_ =	shalt  }
0x85: {  	_ =	shalt  }
0x86: {  	_ =	shalt  }
0x87: {  	_ =	shalt  }
.Lfunc_end0:
.L_simem_size_0:
called_computation_lowered:
.L_overlay_start_0:
0x88: {  	s2 =	sld [smem:$0x3FD9]  }
0x89: {  	s3 =	sld [smem:$0x3FFE];
	_ =	sdelay $0x1  }
0x8a: {  	s1 =	srdreg.scid  }
0x8b: {  	s0 =	sand.u32 $0x1, s1  }
0x8c: {  	s17 =	sshll.u32 s0, $0xA;
	s2 =	sadd.s32 s3, s2  }
0x8d: {  	s2 =	sadd.s32 s2, s17  }
0x8e: {  	[smem:$0x3FBA] =	sst s2  }
0x8f: {  	_ = 	snop  }
0x90: {  	s2 =	sld [smem:$0x3FD0];
	(tm) =	ssettm $0x1  }
0x91: {  	s18 =	sld [smem:$0x3FFB];
	_ =	sdelay $0x3  }
0x92: {  	_ =	strace s18  }
0x93: {  	s3 =	sld [smem:$0x3FFC];
	_ =	sdelay $0x3  }
0x94: {  	_ =	strace s3  }
0x95: {  	s3 =	sld [smem:$0x3FFD];
	_ =	sdelay $0x3  }
0x96: {  	_ =	strace s3  }
0x97: {  	_ =	strace $0x8FFFFFFF  }
0x98: {  	s19 =	sld [smem:$0x3FDB];
	_ =	sdelay $0x1  }
0x99: {  	s4 =	simm.s32 $_scs_section_size  }
0x9a: {  	s5 =	simm.s32 $_size__tile_overlayer_lowered;
	s6 =	simm.s32 $_tile_overlayer_lowered  }
0x9b: {  	s22 =	simm.s32 $0x1BFF;
	s21 =	sshll.u32 s6, $0x1;
	s3 =	sadd.s32 s4, s19  }
0x9c: {  	s7 =	simm.s32 $0x0;
	s20 =	sshll.u32 s5, $0x1;
	s5 =	sadd.s32 s21, s3  }
0x9d: {  	[timem:s7], [sflag:s22] =	dma.local [hbm:s5], s20  }
0x9e: {  	_ =	swait.ge [sflag:s22], s20  }
0x9f: {  	s4 =	ssub.s32 $0x0, s20;
	[sflag:s22] =	ssyncset.done $0x0  }
0xa0: {  	[sflag:s22] =	ssyncadd.s32 s4;
	_ =	sdelay $0x1  }
0xa1: {  	s23 =	simm.s32 $0x1B8B  }
0xa2: {  	_ =	swait.ge [sflag:s23], $0x1  }
0xa3: {  	[sflag:s23] =	ssyncset.done $0x0  }
0xa4: {  	s25 =	simm.s32 $0x1B8E;
	s24 =	sld [smem:$0x3FFE];
	[sflag:s23] =	ssyncadd.s32 $0xFFFFFFFF  }
0xa5: {  	s26 =	simm.s32 $execute0_lowered;
	[smem:$0x3FD2] =	sst s25  }
0xa6: {  	s5 =	sshll.u32 s26, $0x1;
	_ =	strace $0x80000046;
	[dreg:$0x1] =	wrdreg $0xFFFFFFFF  }
0xa7: {  	s28 =	simm.s32 $_size_execute0_lowered;
	s3 =	sadd.s32 s3, s5;
	[dreg:$0x0] =	wrdreg $0x0  }
0xa8: {  	s5 =	sshll.u32 s28, $0x1;
	[dreg:$0x2] =	wrdreg s3  }
0xa9: {  	[dreg:$0x3] =	wrdreg s5  }
0xaa: {  	[dreg:$0x4] =	wrdreg $0xC0  }
0xab: {  	_ =	task [dreg:s7], $0x5FFFF  }
0xac: {  	[dreg:$0x1] =	wrdreg $0xFFFFFFFF  }
0xad: {  	[dreg:$0x0] =	wrdreg $0x60  }
0xae: {  	[dreg:$0x2] =	wrdreg s24  }
0xaf: {  	[dreg:$0x3] =	wrdreg s2  }
0xb0: {  	[dreg:$0x4] =	wrdreg $0x9  }
0xb1: {  	_ =	task.clear_ibuf [dreg:s7], $0x5FFFF;
	_ =	strace $0x90000046  }
0xb2: {  	s29 =	simm.s32 $0x9;
	_ =	strace $0x80000048  }
0xb3: {  	_ =	swait.ge [sflag:s29], $0x1  }
0xb4: {  	[sflag:s29] =	ssyncadd.s32 $0xFFFFFFFF  }
0xb5: {  	_ =	strace $0x90000048  }
0xb6: {  	_ =	sfence  }
0xb7: {  	s30 =	sld [smem:$0x0];
	_ =	sdelay $0x2  }
0xb8: {  	s31 =	sshll.u32 s1, $0xD;
	s1 =	sshrl.u32 s1, $0x2  }
0xb9: {  	s3 =	sand.u32 $0x4000, s31;
	s1 =	sadd.s32 s1, s30  }
0xba: {  	s0 =	sor.u32 s3, s0;
	s1 =	sshll.u32 s1, $0x11  }
0xbb: {  	s0 =	sor.u32 s1, s0  }
0xbc: {  	s0 =	sadd.s32 $0x8F2B, s0  }
0xbd: {  	[sflag:s0] =	ssyncadd.remote.s32 $0x1  }
0xbe: {  	_ =	sfence.sel $0xFFFF  }
0xbf: {  	[dreg:$0x0] =	wrdreg $0xFFFFFFFF;
	(pc) =	sbr.abs _section_cstart, $3  }
0xc0: {  	[dreg:$0x1] =	wrdreg $0xFFFFFFFF  }
0xc1: {  	_ =	task.clear_ibuf [dreg:s7], $0x2FFFF;
	_ =	strace $0x9FFFFFFF  }
0xc2: {  	(tm) =	ssettm $0x7FFFFFFF  }
0xc3: {  	_ =	shalt  }
tec
execute0_lowered:
.L_overlay_start_1:
0x0: {  	(tag) =	ssettag $0x1  }
0x1: {  	s0 =	rddreg [dreg:$0x0]  }
0x2: {  	s1 =	rddreg [dreg:$0x1];
	s4 =	simm.s32 $0x0;
	s2 =	srdreg.scid  }
0x3: {  	s3 =	stileid.u32;
	s17 =	simm.s32 $0x0;
	s10 =	simm.s32 $0x2  }
0x4: {  	s11 =	simm.s32 $0x80;
	s12 =	simm.s32 $0x800;
	s28 =	simm.s32 $0x4800  }
0x5: {  	s29 =	simm.s32 $0x480;
	s30 =	simm.s32 $0x5000;
	s31 =	simm.s32 $0x500  }
0x6: {  	s9 =	simm.s32 $0x6800;
	s18 =	simm.s32 $0x7000;
	s19 =	simm.s32 $0x700  }
0x7: {  	s20 =	simm.s32 $0x7800;
	s21 =	simm.s32 $0x780;
	s13 =	simm.s32 $0x8000  }
0x8: {  	s22 =	simm.s32 $0x1;
	s14 =	simm.s32 $0x8800;
	s16 =	simm.s32 $0x0  }
0x9: {  	[smem:$0x7FF] =	sst s4;
	s2 =	sand.u32 $0x1, s2;
	s4 =	sadd.s32 $0x22800, s0  }
0xa: {  	s3 =	sshll.u32 s3, $0x1;
	s5 =	sadd.s32 $0x212800, s0;
	_ =	strace $0x80000047  }
0xb: {  	s6 =	sor.u32 s2, s3;
	s3 =	sadd.s32 $0x2000, s0;
	s2 =	ssub.s32 $0x2, s2  }
0xc: {  	s24 =	sshll.u32 s6, $0x6;
	s8 =	sshrl.u32 s2, $0x1;
	s26 =	sshll.u32 s6, $0xA  }
0xd: {  	s6 =	sshll.u32 s6, $0x8;
	s7 =	sadd.s32 s24, s0;
	s25 =	ssub.s32 s2, s8  }
0xe: {  	s1 =	sadd.s32 s1, s26;
	s26 =	simm.s32 $0x400;
	s8 =	simm.s32 $0x600  }
0xf: {  	s2 =	simm.s32 $0x680;
	s7 =	sadd.s32 $0x22000, s7;
	[dreg:$0x4] =	wrdreg s1  }
0x10: {  	s0 =	smax.u32 s25, $0x1;
	s1 =	simm.s32 $0x580;
	[dreg:$0x3] =	wrdreg s7  }
0x11: {  	[dreg:$0x5] =	wrdreg s0;
	s0 =	simm.s32 $0x5800;
	s7 =	simm.s32 $0x6000  }
.LBB2_1:
0x12: {  	[dreg:$0x6] =	wrdreg s16;
	s23 =	simm.s32 $0x0  }
.LBB2_2:
0x13: {  	s15 =	sshll.u32 s23, $0x4  }
0x14: {  	s15 =	sadd.s32 s6, s15  }
0x15: {  	s16 =	sshll.u32 s15, $0x4  }
0x16: {  	s24 =	simm.s32 $0x0;
	s16 =	sadd.s32 s3, s16  }
0x17: {  	[tilespmem:s24], [sflag:$0x2] =	stream.linear.gather [hbm4b:s16+s24], $0x800, $0x38;
	[tilespmem:$0x10800] =	vst v63  }
0x18: {  	_ =	swait.ge [sflag:s10], $0x800  }
0x19: {  	[sflag:s10] =	ssyncset.done $0x0  }
0x1a: {  	[sflag:s10] =	ssyncadd.s32 $0xFFFFF800  }
0x1b: {  	[tilespmem:s12], [sflag:$0x1] =	stream.indirect.gather [hbm4b:s4+s11], $0x10, s24, s11, $0xb8;
	[tilespmem:$0x10800] =	vst v63  }
0x1c: {  	s25 =	simm.s32 $0x1000  }
0x1d: {  	[tilespmem:s25], [sflag:$0x1] =	stream.indirect.gather [hbm4b:s4+s11], $0x10, s11, s11, $0xb8;
	[tilespmem:$0x10800] =	vst v63  }
0x1e: {  	s24 =	simm.s32 $0x100;
	s25 =	simm.s32 $0x1800  }
0x1f: {  	[tilespmem:s25], [sflag:$0x1] =	stream.indirect.gather [hbm4b:s4+s11], $0x10, s24, s11, $0xb8;
	[tilespmem:$0x10800] =	vst v63  }
0x20: {  	s24 =	simm.s32 $0x180;
	s25 =	simm.s32 $0x2000  }
0x21: {  	[tilespmem:s25], [sflag:$0x1] =	stream.indirect.gather [hbm4b:s4+s11], $0x10, s24, s11, $0xb8;
	[tilespmem:$0x10800] =	vst v63  }
0x22: {  	s24 =	simm.s32 $0x200;
	s25 =	simm.s32 $0x2800  }
0x23: {  	[tilespmem:s25], [sflag:$0x1] =	stream.indirect.gather [hbm4b:s4+s11], $0x10, s24, s11, $0xb8;
	[tilespmem:$0x10800] =	vst v63  }
0x24: {  	s24 =	simm.s32 $0x280;
	s25 =	simm.s32 $0x3000  }
0x25: {  	[tilespmem:s25], [sflag:$0x1] =	stream.indirect.gather [hbm4b:s4+s11], $0x10, s24, s11, $0xb8;
	[tilespmem:$0x10800] =	vst v63  }
0x26: {  	s24 =	simm.s32 $0x300;
	s25 =	simm.s32 $0x3800  }
0x27: {  	[tilespmem:s25], [sflag:$0x1] =	stream.indirect.gather [hbm4b:s4+s11], $0x10, s24, s11, $0xb8;
	[tilespmem:$0x10800] =	vst v63  }
0x28: {  	s24 =	simm.s32 $0x380;
	s25 =	simm.s32 $0x4000  }
0x29: {  	[tilespmem:s25], [sflag:$0x1] =	stream.indirect.gather [hbm4b:s4+s11], $0x10, s24, s11, $0xb8;
	[tilespmem:$0x10800] =	vst v63  }
0x2a: {  	_ = 	snop  }
0x2b: {  	[tilespmem:s28], [sflag:$0x1] =	stream.indirect.gather [hbm4b:s4+s11], $0x10, s26, s11, $0xb8;
	[tilespmem:$0x10800] =	vst v63  }
0x2c: {  	_ = 	snop  }
0x2d: {  	[tilespmem:s30], [sflag:$0x1] =	stream.indirect.gather [hbm4b:s4+s11], $0x10, s29, s11, $0xb8;
	[tilespmem:$0x10800] =	vst v63  }
0x2e: {  	_ = 	snop  }
0x2f: {  	[tilespmem:s0], [sflag:$0x1] =	stream.indirect.gather [hbm4b:s4+s11], $0x10, s31, s11, $0xb8;
	[tilespmem:$0x10800] =	vst v63  }
0x30: {  	_ = 	snop  }
0x31: {  	[tilespmem:s7], [sflag:$0x1] =	stream.indirect.gather [hbm4b:s4+s11], $0x10, s1, s11, $0xb8;
	[tilespmem:$0x10800] =	vst v63  }
0x32: {  	_ = 	snop  }
0x33: {  	[tilespmem:s9], [sflag:$0x1] =	stream.indirect.gather [hbm4b:s4+s11], $0x10, s8, s11, $0xb8;
	[tilespmem:$0x10800] =	vst v63  }
0x34: {  	_ = 	snop  }
0x35: {  	[tilespmem:s18], [sflag:$0x1] =	stream.indirect.gather [hbm4b:s4+s11], $0x10, s2, s11, $0xb8;
	[tilespmem:$0x10800] =	vst v63  }
0x36: {  	_ = 	snop  }
0x37: {  	[tilespmem:s20], [sflag:$0x1] =	stream.indirect.gather [hbm4b:s4+s11], $0x10, s19, s11, $0xb8;
	[tilespmem:$0x10800] =	vst v63  }
0x38: {  	_ = 	snop  }
0x39: {  	[tilespmem:s13], [sflag:$0x1] =	stream.indirect.gather [hbm4b:s4+s11], $0x10, s21, s11, $0xb8;
	[tilespmem:$0x10800] =	vst v63  }
0x3a: {  	_ =	swait.ge [sflag:s22], $0x800  }
0x3b: {  	[sflag:s22] =	ssyncset.done $0x0  }
0x3c: {  	[sflag:s22] =	ssyncadd.s32 $0xFFFFF800  }
0x3d: {  	_ =	swait.ge [sflag:s22], $0x800  }
0x3e: {  	[sflag:s22] =	ssyncset.done $0x0  }
0x3f: {  	[sflag:s22] =	ssyncadd.s32 $0xFFFFF800  }
0x40: {  	_ =	swait.ge [sflag:s22], $0x800  }
0x41: {  	[sflag:s22] =	ssyncset.done $0x0  }
0x42: {  	[sflag:s22] =	ssyncadd.s32 $0xFFFFF800  }
0x43: {  	_ =	swait.ge [sflag:s22], $0x800  }
0x44: {  	[sflag:s22] =	ssyncset.done $0x0  }
0x45: {  	[sflag:s22] =	ssyncadd.s32 $0xFFFFF800  }
0x46: {  	_ =	swait.ge [sflag:s22], $0x800  }
0x47: {  	[sflag:s22] =	ssyncset.done $0x0  }
0x48: {  	[sflag:s22] =	ssyncadd.s32 $0xFFFFF800  }
0x49: {  	_ =	swait.ge [sflag:s22], $0x800  }
0x4a: {  	[sflag:s22] =	ssyncset.done $0x0  }
0x4b: {  	[sflag:s22] =	ssyncadd.s32 $0xFFFFF800  }
0x4c: {  	_ =	swait.ge [sflag:s22], $0x800  }
0x4d: {  	[sflag:s22] =	ssyncset.done $0x0  }
0x4e: {  	[sflag:s22] =	ssyncadd.s32 $0xFFFFF800  }
0x4f: {  	_ =	swait.ge [sflag:s22], $0x800  }
0x50: {  	[sflag:s22] =	ssyncset.done $0x0  }
0x51: {  	[sflag:s22] =	ssyncadd.s32 $0xFFFFF800  }
0x52: {  	_ =	swait.ge [sflag:s22], $0x800  }
0x53: {  	[sflag:s22] =	ssyncset.done $0x0  }
0x54: {  	[sflag:s22] =	ssyncadd.s32 $0xFFFFF800  }
0x55: {  	_ =	swait.ge [sflag:s22], $0x800  }
0x56: {  	[sflag:s22] =	ssyncset.done $0x0  }
0x57: {  	[sflag:s22] =	ssyncadd.s32 $0xFFFFF800  }
0x58: {  	_ =	swait.ge [sflag:s22], $0x800  }
0x59: {  	[sflag:s22] =	ssyncset.done $0x0  }
0x5a: {  	[sflag:s22] =	ssyncadd.s32 $0xFFFFF800  }
0x5b: {  	_ =	swait.ge [sflag:s22], $0x800  }
0x5c: {  	[sflag:s22] =	ssyncset.done $0x0  }
0x5d: {  	[sflag:s22] =	ssyncadd.s32 $0xFFFFF800  }
0x5e: {  	_ =	swait.ge [sflag:s22], $0x800  }
0x5f: {  	[sflag:s22] =	ssyncset.done $0x0  }
0x60: {  	[sflag:s22] =	ssyncadd.s32 $0xFFFFF800  }
0x61: {  	_ =	swait.ge [sflag:s22], $0x800  }
0x62: {  	[sflag:s22] =	ssyncset.done $0x0  }
0x63: {  	[sflag:s22] =	ssyncadd.s32 $0xFFFFF800  }
0x64: {  	_ =	swait.ge [sflag:s22], $0x800  }
0x65: {  	[sflag:s22] =	ssyncset.done $0x0  }
0x66: {  	[sflag:s22] =	ssyncadd.s32 $0xFFFFF800  }
0x67: {  	_ =	swait.ge [sflag:s22], $0x800  }
0x68: {  	[sflag:s22] =	ssyncset.done $0x0  }
0x69: {  	s24 =	simm.s32 $0x0;
	[sflag:s22] =	ssyncadd.s32 $0xFFFFF800  }
0x6a: {  	v0 =	vld [tilespmem:s24+$0x8F0]  }
0x6b: {  	v1 =	vld [tilespmem:s24+$0x800]  }
0x6c: {  	v2 =	vld [tilespmem:s24+$0x810]  }
0x6d: {  	v3 =	vld [tilespmem:s24+$0x820]  }
0x6e: {  	v4 =	vld [tilespmem:s24+$0x830]  }
0x6f: {  	v5 =	vld [tilespmem:s24+$0x840];
	[tilespmem:s24+$0x88F0] =	vst v0  }
0x70: {  	[tilespmem:s24+$0x8800] =	vst v1;
	v0 =	vld [tilespmem:s24+$0x850]  }
0x71: {  	[tilespmem:s24+$0x8810] =	vst v2;
	v1 =	vld [tilespmem:s24+$0x860]  }
0x72: {  	[tilespmem:s24+$0x8820] =	vst v3;
	v2 =	vld [tilespmem:s24+$0x870]  }
0x73: {  	[tilespmem:s24+$0x8830] =	vst v4;
	v3 =	vld [tilespmem:s24+$0x880]  }
0x74: {  	[tilespmem:s24+$0x8840] =	vst v5;
	v4 =	vld [tilespmem:s24+$0x890]  }
0x75: {  	[tilespmem:s24+$0x8850] =	vst v0;
	v0 =	vld [tilespmem:s24+$0x8A0]  }
0x76: {  	[tilespmem:s24+$0x8860] =	vst v1;
	v1 =	vld [tilespmem:s24+$0x8B0]  }
0x77: {  	[tilespmem:s24+$0x8870] =	vst v2;
	v2 =	vld [tilespmem:s24+$0x8C0]  }
0x78: {  	[tilespmem:s24+$0x8880] =	vst v3;
	v3 =	vld [tilespmem:s24+$0x8D0]  }
0x79: {  	s16 =	simm.s32 $0x100;
	s25 =	simm.s32 $0x800;
	[tilespmem:s24+$0x8890] =	vst v4;
	v4 =	vld [tilespmem:s24+$0x8E0]  }
.LBB2_3:
0x7a: {  	p0 =	sne.s32 s25, $0x1FC00;
	v5 =	vld [tilespmem:s16+$0x8F0];
	[tilespmem:s24+$0x88A0] =	vst v0  }
0x7b: {  	v0 =	vld [tilespmem:s16+$0x800];
	[tilespmem:s24+$0x88B0] =	vst v1  }
0x7c: {  	v1 =	vld [tilespmem:s16+$0x810];
	[tilespmem:s24+$0x88C0] =	vst v2  }
0x7d: {  	v2 =	vld [tilespmem:s16+$0x820];
	[tilespmem:s24+$0x88D0] =	vst v3  }
0x7e: {  	v3 =	vld [tilespmem:s16+$0x830];
	[tilespmem:s24+$0x88E0] =	vst v4;
	s24 =	smov.u32 s16  }
0x7f: {  	v4 =	vld [tilespmem:s24+$0x840];
	[tilespmem:s24+$0x88F0] =	vst v5  }
0x80: {  	[tilespmem:s24+$0x8800] =	vst v0;
	v0 =	vld [tilespmem:s24+$0x850]  }
0x81: {  	[tilespmem:s24+$0x8810] =	vst v1;
	v1 =	vld [tilespmem:s24+$0x860]  }
0x82: {  	[tilespmem:s24+$0x8820] =	vst v2;
	v2 =	vld [tilespmem:s24+$0x870]  }
0x83: {  	[tilespmem:s24+$0x8830] =	vst v3;
	v3 =	vld [tilespmem:s24+$0x880]  }
0x84: {  	[tilespmem:s24+$0x8840] =	vst v4;
	v4 =	vld [tilespmem:s24+$0x890]  }
.Ltmp0:
0x85: {  	[tilespmem:s24+$0x8850] =	vst v0;
	v0 =	vld [tilespmem:s24+$0x8A0];
	(pc) =	sbr.rel @p0 .LBB2_3-.Ltmp0, $4  }
0x86: {  	[tilespmem:s24+$0x8860] =	vst v1;
	v1 =	vld [tilespmem:s24+$0x8B0]  }
0x87: {  	[tilespmem:s24+$0x8870] =	vst v2;
	v2 =	vld [tilespmem:s24+$0x8C0]  }
0x88: {  	[tilespmem:s24+$0x8880] =	vst v3;
	v3 =	vld [tilespmem:s24+$0x8D0]  }
0x89: {  	s16 =	sshra.s32 s25, $0x2;
	s25 =	sadd.s32 $0x400, s25;
	[tilespmem:s24+$0x8890] =	vst v4;
	v4 =	vld [tilespmem:s24+$0x8E0]  }
0x8a: {  	v5 =	vld [tilespmem:s16+$0x8F0];
	[tilespmem:s24+$0x88A0] =	vst v0  }
0x8b: {  	v0 =	vld [tilespmem:s16+$0x800];
	[tilespmem:s24+$0x88B0] =	vst v1  }
0x8c: {  	v1 =	vld [tilespmem:s16+$0x810];
	[tilespmem:s24+$0x88C0] =	vst v2  }
0x8d: {  	v2 =	vld [tilespmem:s16+$0x820];
	[tilespmem:s24+$0x88D0] =	vst v3  }
0x8e: {  	v3 =	vld [tilespmem:s16+$0x830];
	[tilespmem:s24+$0x88E0] =	vst v4  }
0x8f: {  	v4 =	vld [tilespmem:s16+$0x840];
	[tilespmem:s16+$0x88F0] =	vst v5  }
0x90: {  	v54 =	vld [tilespmem:s16+$0x850];
	[tilespmem:s16+$0x8800] =	vst v0  }
0x91: {  	v55 =	vld [tilespmem:s16+$0x860];
	[tilespmem:s16+$0x8810] =	vst v1  }
0x92: {  	v56 =	vld [tilespmem:s16+$0x870];
	[tilespmem:s16+$0x8820] =	vst v2  }
0x93: {  	v57 =	vld [tilespmem:s16+$0x880];
	[tilespmem:s16+$0x8830] =	vst v3  }
0x94: {  	v58 =	vld [tilespmem:s16+$0x890];
	[tilespmem:s16+$0x8840] =	vst v4  }
0x95: {  	v59 =	vld [tilespmem:s16+$0x8A0];
	[tilespmem:s16+$0x8850] =	vst v54  }
0x96: {  	v60 =	vld [tilespmem:s16+$0x8B0];
	[tilespmem:s16+$0x8860] =	vst v55  }
0x97: {  	v61 =	vld [tilespmem:s16+$0x8C0];
	[tilespmem:s16+$0x8870] =	vst v56  }
0x98: {  	v62 =	vld [tilespmem:s16+$0x8D0];
	[tilespmem:s16+$0x8880] =	vst v57  }
0x99: {  	v63 =	vld [tilespmem:s16+$0x8E0];
	[tilespmem:s16+$0x8890] =	vst v58  }
0x9a: {  	[tilespmem:s16+$0x88A0] =	vst v59  }
0x9b: {  	[tilespmem:s16+$0x88B0] =	vst v60  }
0x9c: {  	s23 =	sadd.s32 $0x1, s23;
	[tilespmem:s16+$0x88C0] =	vst v61  }
0x9d: {  	s15 =	sshll.u32 s15, $0x8;
	p0 =	sne.s32 s23, $0x10;
	[tilespmem:s16+$0x88D0] =	vst v62  }
.Ltmp1:
0x9e: {  	s15 =	sadd.s32 s5, s15;
	[tilespmem:s16+$0x88E0] =	vst v63;
	(pc) =	sbr.rel @p0 .LBB2_2-.Ltmp1, $4  }
0x9f: {  	[hbm4b:s15+s17] =	stream.linear.scatter [tilespmem:s14], [sflag:$0x2], $0x8000, $0x38;
	[tilespmem:$0x10800] =	vst v63  }
0xa0: {  	_ =	swait.ge [sflag:s10], $0x8000  }
0xa1: {  	[sflag:s10] =	ssyncset.done $0x0  }
0xa2: {  	[sflag:s10] =	ssyncadd.s32 $0xFFFF8000  }
0xa3: {  	s15 =	simm.s32 $0x0;
	s16 =	rddreg [dreg:$0x3]  }
0xa4: {  	[tilespmem:s15], [sflag:$0x2] =	stream.linear.gather [hbm4b:s16+s15], $0x200, $0x38;
	[tilespmem:$0x10800] =	vst v63  }
0xa5: {  	_ =	swait.ge [sflag:s10], $0x200  }
0xa6: {  	[sflag:s10] =	ssyncset.done $0x0  }
0xa7: {  	[sflag:s10] =	ssyncadd.s32 $0xFFFFFE00  }
0xa8: {  	[tilespmem:s12], [sflag:$0x1] =	stream.indirect.gather [hbm4b:s4+s11], $0x10, s15, s11, $0xb8;
	[tilespmem:$0x10800] =	vst v63  }
0xa9: {  	s17 =	simm.s32 $0x1000  }
0xaa: {  	[tilespmem:s17], [sflag:$0x1] =	stream.indirect.gather [hbm4b:s4+s11], $0x10, s11, s11, $0xb8;
	[tilespmem:$0x10800] =	vst v63  }
0xab: {  	s23 =	simm.s32 $0x100;
	s17 =	simm.s32 $0x1800  }
0xac: {  	[tilespmem:s17], [sflag:$0x1] =	stream.indirect.gather [hbm4b:s4+s11], $0x10, s23, s11, $0xb8;
	[tilespmem:$0x10800] =	vst v63  }
0xad: {  	s24 =	simm.s32 $0x180;
	s25 =	simm.s32 $0x2000  }
0xae: {  	[tilespmem:s25], [sflag:$0x1] =	stream.indirect.gather [hbm4b:s4+s11], $0x10, s24, s11, $0xb8;
	[tilespmem:$0x10800] =	vst v63  }
0xaf: {  	_ =	swait.ge [sflag:s22], $0x800  }
0xb0: {  	[sflag:s22] =	ssyncset.done $0x0  }
0xb1: {  	[sflag:s22] =	ssyncadd.s32 $0xFFFFF800  }
0xb2: {  	_ =	swait.ge [sflag:s22], $0x800  }
0xb3: {  	[sflag:s22] =	ssyncset.done $0x0  }
0xb4: {  	[sflag:s22] =	ssyncadd.s32 $0xFFFFF800  }
0xb5: {  	_ =	swait.ge [sflag:s22], $0x800  }
0xb6: {  	[sflag:s22] =	ssyncset.done $0x0  }
0xb7: {  	[sflag:s22] =	ssyncadd.s32 $0xFFFFF800  }
0xb8: {  	_ =	swait.ge [sflag:s22], $0x800  }
0xb9: {  	[sflag:s22] =	ssyncset.done $0x0  }
0xba: {  	s23 =	rddreg [dreg:$0x4];
	[sflag:s22] =	ssyncadd.s32 $0xFFFFF800  }
0xbb: {  	[hbm4b:s23+s15] =	stream.linear.scatter [tilespmem:s12], [sflag:$0x2], $0x2000, $0x38;
	[tilespmem:$0x10800] =	vst v63  }
0xbc: {  	_ =	swait.ge [sflag:s10], $0x2000  }
0xbd: {  	s24 =	rddreg [dreg:$0x6]  }
0xbe: {  	s25 =	rddreg [dreg:$0x5];
	s16 =	sadd.s32 $0x1, s24  }
0xbf: {  	p0 =	sne.s32 s16, s25  }
.Ltmp2:
0xc0: {  	_ = 	snop;
	(pc) =	sbr.rel @p0 .LBB2_1-.Ltmp2, $3  }
0xc1: {  	_ =	sdelay $0x1  }
0xc2: {  	[sflag:s10] =	ssyncset.done $0x0  }
0xc3: {  	s17 =	simm.s32 $0x0;
	[sflag:s10] =	ssyncadd.s32 $0xFFFFE000  }
0xc4: {  	_ =	sfence.sel $0x180000  }
0xc5: {  	[bflag:$0x0] =	sbarrier.arrive $0xFFFF  }
0xc6: {  	_ =	strace $0x90000047  }
0xc7: {  	s0 =	stileid.u32;
	[bflag:$0x2] =	sbarrier.arrive $0xFFFF  }
0xc8: {  	p0 =	sne.s32 s0, $0x0;
	s0 =	rddreg [dreg:$0x2]  }
0xc9: {  	s0 =	sadd.s32 @!p0 $0x100000, s0  }
0xca: {  	[sflag:s0] =	ssyncadd.tile.s32 @!p0 $0x1;
	_ =	shalt  }
.Lfunc_end2:
_tile_overlayer_lowered:
.L_overlay_start_2:
0xcb: {  	(tag) =	ssettag $0x2  }
0xcc: {  	s0 =	rddreg [dreg:$0x0];
	s2 =	stileid.u32  }
0xcd: {  	s1 =	rddreg [dreg:$0x1];
	p0 =	sne.s32 s2, $0x0  }
0xce: {  	s3 =	rddreg [dreg:$0x2];
	[bflag:$0x3] =	sbarrier.arrive $0xFFFF;
	s2 =	simm.s32 @!p0 $0x1C02  }
0xcf: {  	[timem:s3], [sflag:s2] =	dma.local @!p0 [hbm:s0], s1  }
0xd0: {  	s0 =	simm.s32 @!p0 $0x2  }
0xd1: {  	_ =	swait.ge @!p0 [sflag:s0], s1  }
0xd2: {  	s1 =	ssub.s32 @!p0 $0x0, s1;
	[sflag:s0] =	ssyncset.done @!p0 $0x0  }
0xd3: {  	[sflag:s0] =	ssyncadd.s32 @!p0 s1  }
0xd4: {  	[bflag:$0x3] =	sbarrier.arrive $0xFFFF  }
0xd5: {  	_ =	shalt  }

</sc_bundles>
